<compile_context>
chip_gen: v7x
topology: tpu7x:2x2x1
jax: 0.10.2.dev20260603
libtpu: 0.0.44.dev20260713+nightly
codegen_flags: <defaults>
</compile_context>

<pallas_src>
import functools

import jax
import jax.numpy as jnp
from jax import lax
from jax.experimental import pallas as pl
from jax.experimental.pallas import tpu as pltpu
from jax.experimental.pallas import tpu_sc as plsc

N_NODES = 10000
D = 128
N_EDGES = 320000
E_LOOP = N_EDGES + N_NODES
NC, NS, L = 2, 16, 16
NW = NC * NS
K = 128
CH = 82
E_PAD = NW * CH * K
TRASH = N_NODES
ROWS = 10240
RPT = ROWS // NS

_mesh = plsc.VectorSubcoreMesh(core_axis_name="c", subcore_axis_name="s")


def _zero_fill(ref, nrows, ncols):
    z = jnp.zeros((L,), jnp.float32)
    per_row = ncols // L

    def body(i, _):
        ref[i // per_row, pl.ds((i % per_row) * L, L)] = z
        return _

    lax.fori_loop(0, nrows * per_row, body, 0)


@functools.partial(
    pl.kernel,
    mesh=_mesh,
    out_type=jax.ShapeDtypeStruct((NC, ROWS, L), jnp.float32),
    scratch_types=[
        pltpu.VMEM((CH, K), jnp.int32),
        pltpu.VMEM((K, L), jnp.float32),
        pltpu.VMEM((L, L), jnp.float32),
        pltpu.VMEM_SHARED((ROWS, L), jnp.float32),
    ],
)
def _deg_kernel(dstw, out, dst_v, ones_v, zbuf, acc):
    c = lax.axis_index("c")
    s = lax.axis_index("s")
    wid = c * NS + s
    pltpu.sync_copy(dstw.at[wid], dst_v)

    one = jnp.full((L,), 1.0, jnp.float32)

    def fill_ones(i, _):
        ones_v[i, :] = one
        return _

    lax.fori_loop(0, K, fill_ones, 0)
    _zero_fill(zbuf, L, L)

    def zacc(i, _):
        pltpu.sync_copy(zbuf, acc.at[pl.ds(s * RPT + i * L, L)])
        return _

    lax.fori_loop(0, RPT // L, zacc, 0)
    plsc.subcore_barrier()

    def body(j, _):
        pltpu.sync_copy(ones_v, acc.at[dst_v.at[j]], add=True)
        return _

    lax.fori_loop(0, CH, body, 0)
    plsc.subcore_barrier()
    pltpu.sync_copy(acc.at[pl.ds(s * RPT, RPT)], out.at[c, pl.ds(s * RPT, RPT)])


@functools.partial(
    pl.kernel,
    mesh=_mesh,
    out_type=jax.ShapeDtypeStruct((NC, ROWS, D), jnp.float32),
    scratch_types=[
        pltpu.VMEM((CH, K), jnp.int32),
        pltpu.VMEM((2, K), jnp.int32),
        pltpu.VMEM((2, K, D), jnp.float32),
        pltpu.VMEM_SHARED((ROWS, D), jnp.float32),
        pltpu.SemaphoreType.DMA,
        pltpu.SemaphoreType.DMA,
    ],
)
def _agg_kernel(g, srcw, dstw, out, src_v, dst_v, rows_v, acc, gsem, isem):
    c = lax.axis_index("c")
    s = lax.axis_index("s")
    wid = c * NS + s
    pltpu.sync_copy(srcw.at[wid], src_v)
    zbuf = rows_v.at[0].at[pl.ds(0, L)]
    _zero_fill(zbuf, L, D)

    def zacc(i, _):
        pltpu.sync_copy(zbuf, acc.at[pl.ds(s * RPT + i * L, L)])
        return _

    lax.fori_loop(0, RPT // L, zacc, 0)
    plsc.subcore_barrier()

    NSUB = 4
    SUB = K // NSUB

    def issue(j, b):
        for i in range(NSUB):
            pltpu.async_copy(
                g.at[src_v.at[j].at[pl.ds(i * SUB, SUB)]],
                rows_v.at[b].at[pl.ds(i * SUB, SUB)], gsem)
        pltpu.async_copy(dstw.at[wid, j], dst_v.at[b], isem)

    issue(0, 0)
    issue(1, 1)

    def body(j, _):
        b = lax.rem(j, 2)
        for i in range(NSUB):
            pltpu.make_async_copy(
                g.at[src_v.at[j].at[pl.ds(i * SUB, SUB)]],
                rows_v.at[b].at[pl.ds(i * SUB, SUB)], gsem).wait()
        pltpu.make_async_copy(dstw.at[wid, j], dst_v.at[b], isem).wait()
        pltpu.sync_copy(rows_v.at[b], acc.at[dst_v.at[b]], add=True)

        @pl.when(j + 2 < CH)
        def _next():
            issue(j + 2, b)

        return _

    lax.fori_loop(0, CH, body, 0)
    plsc.subcore_barrier()
    pltpu.sync_copy(acc.at[pl.ds(s * RPT, RPT)], out.at[c, pl.ds(s * RPT, RPT)])


def _tc_call(body, n_out, *args):
    return pl.pallas_call(
        body,
        out_shape=jax.ShapeDtypeStruct((N_NODES, D), jnp.float32),
    )(*args)


def _dinv(degw_ref):
    deg = degw_ref[0, :N_NODES, 0:1] + degw_ref[1, :N_NODES, 0:1]
    return lax.rsqrt(deg)


def _tc1_body(x_ref, w1_ref, degw_ref, g_ref):
    dinv = _dinv(degw_ref)
    h = lax.dot_general(x_ref[...], w1_ref[...], (((1,), (1,)), ((), ())),
                        preferred_element_type=jnp.float32)
    g_ref[...] = h * dinv


def _tc2_body(acc_ref, degw_ref, b1_ref, w2_ref, g_ref):
    dinv = _dinv(degw_ref)
    ssum = acc_ref[0, :N_NODES, :] + acc_ref[1, :N_NODES, :]
    a1 = jnp.maximum(ssum * dinv + b1_ref[...], 0.0)
    h2 = lax.dot_general(a1, w2_ref[...], (((1,), (1,)), ((), ())),
                         preferred_element_type=jnp.float32)
    g_ref[...] = h2 * dinv


def _tc3_body(acc_ref, degw_ref, b2_ref, out_ref):
    dinv = _dinv(degw_ref)
    ssum = acc_ref[0, :N_NODES, :] + acc_ref[1, :N_NODES, :]
    out_ref[...] = ssum * dinv + b2_ref[...]


def kernel(x, edge_index, W1, b1, W2, b2):
    ei = edge_index.astype(jnp.int32)
    loop = jnp.arange(N_NODES, dtype=jnp.int32)
    pad = E_PAD - E_LOOP
    src = jnp.concatenate([ei[0], loop, jnp.zeros((pad,), jnp.int32)])
    dst = jnp.concatenate([ei[1], loop, jnp.full((pad,), TRASH, jnp.int32)])
    srcw = src.reshape(NW, CH, K)
    dstw = dst.reshape(NW, CH, K)
    b1r = b1.reshape(1, D)
    b2r = b2.reshape(1, D)

    degw = _deg_kernel(dstw)
    g1 = _tc_call(_tc1_body, 1, x, W1, degw)
    acc1 = _agg_kernel(g1, srcw, dstw)
    g2 = _tc_call(_tc2_body, 1, acc1, degw, b1r, W2)
    acc2 = _agg_kernel(g2, srcw, dstw)
    out = _tc_call(_tc3_body, 1, acc2, degw, b2r)
    return out

# --- scband reference (transcript-rebuilt; emitter-appended) ---
"""Pipeline reference for scband-encoder-12463995093415 (READ-ONLY COPY).

The authoritative reference and input builder live on the scoring server;
editing this copy changes nothing except your own understanding.
"""

import jax, jax.numpy as jnp
import numpy as np

N_NODES = 10000
N_EDGES = 320000
D_IN = 128
D_HID = 128


def setup_inputs(seed: int = 0) -> dict:
    key = jax.random.key(seed)
    k1, k2, k3, k4, k5, k6, k7 = jax.random.split(key, 7)
    x = jax.random.normal(k1, (N_NODES, D_IN), dtype=jnp.float32)
    edge_index = jax.random.randint(k2, (2, N_EDGES), 0, N_NODES, dtype=jnp.int64)
    # Glorot-style init for GCN linear weights (as in PyG GCNConv)
    s1 = (6.0 / (D_IN + D_HID)) ** 0.5
    W1 = jax.random.uniform(k3, (D_HID, D_IN), minval=-s1, maxval=s1, dtype=jnp.float32)
    b1 = jnp.zeros((D_HID,), dtype=jnp.float32)
    s2 = (6.0 / (D_HID + D_HID)) ** 0.5
    W2 = jax.random.uniform(k4, (D_HID, D_HID), minval=-s2, maxval=s2, dtype=jnp.float32)
    b2 = jnp.zeros((D_HID,), dtype=jnp.float32)
    return {"x": x, "edge_index": edge_index, "W1": W1, "b1": b1, "W2": W2, "b2": b2}


def _gcn_conv(x, src, dst, W, b):
    # GCNConv (PyG semantics): linear transform, then sym-normalized
    # aggregation with self-loops already appended to (src, dst).
    n = x.shape[0]
    h = x @ W.T
    deg = jnp.zeros((n,), dtype=h.dtype).at[dst].add(1.0)
    dinv = jnp.where(deg > 0, deg ** -0.5, 0.0)
    norm = dinv[src] * dinv[dst]
    msg = h[src] * norm[:, None]
    out = jnp.zeros_like(h).at[dst].add(msg)
    return out + b


def reference(x, edge_index, W1, b1, W2, b2):
    n = x.shape[0]
    loop = jnp.arange(n, dtype=edge_index.dtype)
    src = jnp.concatenate([edge_index[0], loop])
    dst = jnp.concatenate([edge_index[1], loop])
    h = _gcn_conv(x, src, dst, W1, b1)
    h = jax.nn.relu(h)
    out = _gcn_conv(h, src, dst, W2, b2)
    return out

if __name__ == "__main__":
    import jax
    _d = setup_inputs()
    print(jax.jit(kernel)(*tuple(_d.values())))

</pallas_src>

<mosaic_0001>
#map = affine_map<(d0, d1) -> (0, 0)>
#map1 = affine_map<(d0, d1) -> (0, 0, 0)>
module attributes {stable_mosaic.version = 14 : i64} {
  func.func @_agg_kernel(%arg0: i32, %arg1: i32, %arg2: memref<10000x128xf32, #tpu.memory_space<hbm>>, %arg3: memref<32x82x128xi32, #tpu.memory_space<hbm>>, %arg4: memref<32x82x128xi32, #tpu.memory_space<hbm>>, %arg5: memref<2x10240x128xf32, #tpu.memory_space<hbm>>, %arg6: memref<82x128xi32, #tpu.memory_space<vmem>>, %arg7: memref<2x128xi32, #tpu.memory_space<vmem>>, %arg8: memref<2x128x128xf32, #tpu.memory_space<vmem>>, %arg9: memref<10240x128xf32, #tpu.memory_space<vmem_shared>>, %arg10: memref<!tpu.dma_semaphore, #tpu.memory_space<semaphore_mem>>, %arg11: memref<!tpu.dma_semaphore, #tpu.memory_space<semaphore_mem>>) attributes {dimension_semantics = [#tpu.dimension_semantics<core_parallel>, #tpu.dimension_semantics<subcore_parallel>], iteration_bounds = array<i64: 2, 16>, scalar_prefetch = 0 : i64, scratch_operands = 6 : i64, tpu.core_type = #tpu.core_type<sc_vector_subcore>, window_params = [{transform_indices = #map}, {transform_indices = #map1}, {transform_indices = #map1}, {transform_indices = #map1}]} {
    %mul3A = arith.constant 16 : i32
    %mul3A_0 = arith.muli %arg0, %mul3A : i32
    %add3A = arith.addi %mul3A_0, %arg1 : i32
    "tpu.region"() ({
      %run_scoped3A = tpu.sem_alloc : memref<!tpu.dma_semaphore, #tpu.memory_space<semaphore_mem>>
      %dma_start3A_189 = arith.constant 0 : i32
      %dma_start3A_190 = arith.constant 0 : i32
      %dma_start3A_191 = tpu.memref_slice %arg3[%add3A, %dma_start3A_189, %dma_start3A_190] : memref<32x82x128xi32, #tpu.memory_space<hbm>> -> memref<1x82x128xi32, #tpu.memory_space<hbm>>
      %dma_start3A_192 = tpu.memref_squeeze %dma_start3A_191 : memref<1x82x128xi32, #tpu.memory_space<hbm>> -> memref<82x128xi32, #tpu.memory_space<hbm>>
      %dma_start3A_193 = arith.constant 0 : i32
      %dma_start3A_194 = arith.constant 0 : i32
      %dma_start3A_195 = tpu.memref_slice %arg3[%add3A, %dma_start3A_193, %dma_start3A_194] : memref<32x82x128xi32, #tpu.memory_space<hbm>> -> memref<1x82x128xi32, #tpu.memory_space<hbm>>
      %dma_start3A_196 = tpu.memref_squeeze %dma_start3A_195 : memref<1x82x128xi32, #tpu.memory_space<hbm>> -> memref<82x128xi32, #tpu.memory_space<hbm>>
      tpu.enqueue_dma source(%dma_start3A_196 : memref<82x128xi32, #tpu.memory_space<hbm>>) target(%arg6 : memref<82x128xi32, #tpu.memory_space<vmem>>) target_semaphore(%run_scoped3A : memref<!tpu.dma_semaphore, #tpu.memory_space<semaphore_mem>>)
      %dma_wait3A = arith.constant 0 : i32
      %dma_wait3A_197 = arith.constant 0 : i32
      %dma_wait3A_198 = tpu.memref_slice %arg3[%add3A, %dma_wait3A, %dma_wait3A_197] : memref<32x82x128xi32, #tpu.memory_space<hbm>> -> memref<1x82x128xi32, #tpu.memory_space<hbm>>
      %dma_wait3A_199 = tpu.memref_squeeze %dma_wait3A_198 : memref<1x82x128xi32, #tpu.memory_space<hbm>> -> memref<82x128xi32, #tpu.memory_space<hbm>>
      %dma_wait3A_200 = arith.constant 0 : i32
      %dma_wait3A_201 = arith.constant 0 : i32
      %dma_wait3A_202 = tpu.memref_slice %arg3[%add3A, %dma_wait3A_200, %dma_wait3A_201] : memref<32x82x128xi32, #tpu.memory_space<hbm>> -> memref<1x82x128xi32, #tpu.memory_space<hbm>>
      %dma_wait3A_203 = tpu.memref_squeeze %dma_wait3A_202 : memref<1x82x128xi32, #tpu.memory_space<hbm>> -> memref<82x128xi32, #tpu.memory_space<hbm>>
      tpu.wait_dma2 semaphore(%run_scoped3A : memref<!tpu.dma_semaphore, #tpu.memory_space<semaphore_mem>>) src(%dma_wait3A_203 : memref<82x128xi32, #tpu.memory_space<hbm>>) dst(%arg6 : memref<82x128xi32, #tpu.memory_space<vmem>>)
      tpu.yield
    }) : () -> ()
    %broadcast_in_dim3A = arith.constant 0.000000e+00 : f32
    %broadcast_in_dim3A_1 = vector.broadcast %broadcast_in_dim3A : f32 to vector<16xf32>
    %scan3A = arith.constant 0 : i32
    %scan3A_2 = arith.constant 0 : i32
    %scan3A_3 = arith.constant 0 : i32
    %scan3A_4 = arith.constant 128 : i32
    %scan3A_5 = arith.addi %scan3A_3, %scan3A_4 : i32
    %scan3A_6 = arith.constant 1 : i32
    scf.for %scan3A_189 = %scan3A_3 to %scan3A_5 step %scan3A_6  : i32 {
      %jit3A = arith.constant 8 : i32
      %div3A = arith.divsi %scan3A_189, %jit3A : i32
      %sign3A = arith.constant 0 : i32
      %sign3A_190 = arith.cmpi sgt, %scan3A_189, %sign3A : i32
      %sign3A_191 = arith.extui %sign3A_190 : i1 to i32
      %sign3A_192 = arith.constant 0 : i32
      %sign3A_193 = arith.cmpi slt, %scan3A_189, %sign3A_192 : i32
      %sign3A_194 = arith.extui %sign3A_193 : i1 to i32
      %sign3A_195 = arith.subi %sign3A_191, %sign3A_194 : i32
      %sign3A_196 = arith.constant 0 : i32
      %sign3A_197 = arith.cmpi sgt, %jit3A, %sign3A_196 : i32
      %sign3A_198 = arith.extui %sign3A_197 : i1 to i32
      %sign3A_199 = arith.constant 0 : i32
      %sign3A_200 = arith.cmpi slt, %jit3A, %sign3A_199 : i32
      %sign3A_201 = arith.extui %sign3A_200 : i1 to i32
      %sign3A_202 = arith.subi %sign3A_198, %sign3A_201 : i32
      %ne3A = arith.cmpi ne, %sign3A_195, %sign3A_202 : i32
      %rem3A = arith.remsi %scan3A_189, %jit3A : i32
      %ne3A_203 = arith.constant 0 : i32
      %ne3A_204 = arith.cmpi ne, %rem3A, %ne3A_203 : i32
      %and3A = arith.andi %ne3A, %ne3A_204 : i1
      %sub3A = arith.constant 1 : i32
      %sub3A_205 = arith.subi %div3A, %sub3A : i32
      %select_n3A = arith.select %and3A, %sub3A_205, %div3A : i32
      %jit3A_206 = arith.constant 8 : i32
      %eq3A = arith.constant 0 : i32
      %eq3A_207 = arith.cmpi eq, %jit3A_206, %eq3A : i32
      %jit3A_208 = arith.constant 1 : i32
      %select_n3A_209 = arith.select %eq3A_207, %jit3A_208, %jit3A_206 : i32
      %rem3A_210 = arith.remsi %scan3A_189, %select_n3A_209 : i32
      %ne3A_211 = arith.constant 0 : i32
      %ne3A_212 = arith.cmpi ne, %rem3A_210, %ne3A_211 : i32
      %lt3A = arith.constant 0 : i32
      %lt3A_213 = arith.cmpi slt, %rem3A_210, %lt3A : i32
      %lt3A_214 = arith.constant 0 : i32
      %lt3A_215 = arith.cmpi slt, %select_n3A_209, %lt3A_214 : i32
      %ne3A_216 = arith.xori %lt3A_213, %lt3A_215 : i1
      %and3A_217 = arith.andi %ne3A_216, %ne3A_212 : i1
      %add3A_218 = arith.addi %rem3A_210, %select_n3A_209 : i32
      %select_n3A_219 = arith.select %and3A_217, %add3A_218, %rem3A_210 : i32
      %mul3A_220 = arith.constant 16 : i32
      %mul3A_221 = arith.muli %select_n3A_219, %mul3A_220 : i32
      %swap3A = arith.constant 0 : i32
      %swap3A_222 = arith.constant 0 : i32
      %swap3A_223 = tpu.memref_slice %arg8[%scan3A_2, %swap3A, %swap3A_222] : memref<2x128x128xf32, #tpu.memory_space<vmem>> -> memref<1x128x128xf32, #tpu.memory_space<vmem>>
      %swap3A_224 = tpu.memref_squeeze %swap3A_223 : memref<1x128x128xf32, #tpu.memory_space<vmem>> -> memref<128x128xf32, #tpu.memory_space<vmem>>
      %swap3A_225 = arith.constant 0 : i32
      %swap3A_226 = arith.constant 0 : i32
      %swap3A_227 = tpu.memref_slice %swap3A_224[%swap3A_225, %swap3A_226] : memref<128x128xf32, #tpu.memory_space<vmem>> -> memref<16x128xf32, #tpu.memory_space<vmem>>
      %swap3A_228 = arith.index_cast %select_n3A : i32 to index
      %swap3A_229 = arith.index_cast %mul3A_221 : i32 to index
      %swap3A_230 = tpu.vector_load %swap3A_227[%swap3A_228, %swap3A_229] {strides = array<i32>} : memref<16x128xf32, #tpu.memory_space<vmem>>, vector<1x16xf32>,
      %swap3A_231 = vector.shape_cast %swap3A_230 : vector<1x16xf32> to vector<16xf32>
      %swap3A_232 = vector.shape_cast %broadcast_in_dim3A_1 : vector<16xf32> to vector<1x16xf32>
      tpu.vector_store %swap3A_227[%swap3A_228, %swap3A_229], %swap3A_232 {strides = array<i32>} : memref<16x128xf32, #tpu.memory_space<vmem>>, vector<1x16xf32>,
    }
    %scan3A_7 = arith.constant 128 : i32
    %scan3A_8 = arith.constant 0 : i32
    %scan3A_9 = arith.constant 0 : i32
    %scan3A_10 = arith.constant 0 : i32
    %scan3A_11 = arith.constant 40 : i32
    %scan3A_12 = arith.addi %scan3A_10, %scan3A_11 : i32
    %scan3A_13 = arith.constant 1 : i32
    scf.for %scan3A_189 = %scan3A_10 to %scan3A_12 step %scan3A_13  : i32 {
      %mul3A_190 = arith.constant 640 : i32
      %mul3A_191 = arith.muli %arg1, %mul3A_190 : i32
      %mul3A_192 = arith.constant 16 : i32
      %mul3A_193 = arith.muli %scan3A_189, %mul3A_192 : i32
      %add3A_194 = arith.addi %mul3A_191, %mul3A_193 : i32
      "tpu.region"() ({
        %run_scoped3A = tpu.sem_alloc : memref<!tpu.dma_semaphore, #tpu.memory_space<semaphore_mem>>
        %dma_start3A_195 = arith.constant 0 : i32
        %dma_start3A_196 = arith.constant 0 : i32
        %dma_start3A_197 = tpu.memref_slice %arg8[%scan3A_9, %dma_start3A_195, %dma_start3A_196] : memref<2x128x128xf32, #tpu.memory_space<vmem>> -> memref<1x128x128xf32, #tpu.memory_space<vmem>>
        %dma_start3A_198 = tpu.memref_squeeze %dma_start3A_197 : memref<1x128x128xf32, #tpu.memory_space<vmem>> -> memref<128x128xf32, #tpu.memory_space<vmem>>
        %dma_start3A_199 = arith.constant 0 : i32
        %dma_start3A_200 = arith.constant 0 : i32
        %dma_start3A_201 = tpu.memref_slice %dma_start3A_198[%dma_start3A_199, %dma_start3A_200] : memref<128x128xf32, #tpu.memory_space<vmem>> -> memref<16x128xf32, #tpu.memory_space<vmem>>
        %dma_start3A_202 = arith.constant 0 : i32
        %dma_start3A_203 = tpu.memref_slice %arg9[%add3A_194, %dma_start3A_202] : memref<10240x128xf32, #tpu.memory_space<vmem_shared>> -> memref<16x128xf32, #tpu.memory_space<vmem_shared>>
        %dma_start3A_204 = arith.constant 0 : i32
        %dma_start3A_205 = tpu.memref_slice %arg9[%add3A_194, %dma_start3A_204] : memref<10240x128xf32, #tpu.memory_space<vmem_shared>> -> memref<16x128xf32, #tpu.memory_space<vmem_shared>>
        %dma_start3A_206 = arith.constant 0 : i32
        %dma_start3A_207 = arith.constant 0 : i32
        %dma_start3A_208 = tpu.memref_slice %arg8[%scan3A_9, %dma_start3A_206, %dma_start3A_207] : memref<2x128x128xf32, #tpu.memory_space<vmem>> -> memref<1x128x128xf32, #tpu.memory_space<vmem>>
        %dma_start3A_209 = tpu.memref_squeeze %dma_start3A_208 : memref<1x128x128xf32, #tpu.memory_space<vmem>> -> memref<128x128xf32, #tpu.memory_space<vmem>>
        %dma_start3A_210 = arith.constant 0 : i32
        %dma_start3A_211 = arith.constant 0 : i32
        %dma_start3A_212 = tpu.memref_slice %dma_start3A_209[%dma_start3A_210, %dma_start3A_211] : memref<128x128xf32, #tpu.memory_space<vmem>> -> memref<16x128xf32, #tpu.memory_space<vmem>>
        tpu.enqueue_dma source(%dma_start3A_212 : memref<16x128xf32, #tpu.memory_space<vmem>>) target(%dma_start3A_205 : memref<16x128xf32, #tpu.memory_space<vmem_shared>>) target_semaphore(%run_scoped3A : memref<!tpu.dma_semaphore, #tpu.memory_space<semaphore_mem>>)
        %dma_wait3A = arith.constant 0 : i32
        %dma_wait3A_213 = arith.constant 0 : i32
        %dma_wait3A_214 = tpu.memref_slice %arg8[%scan3A_9, %dma_wait3A, %dma_wait3A_213] : memref<2x128x128xf32, #tpu.memory_space<vmem>> -> memref<1x128x128xf32, #tpu.memory_space<vmem>>
        %dma_wait3A_215 = tpu.memref_squeeze %dma_wait3A_214 : memref<1x128x128xf32, #tpu.memory_space<vmem>> -> memref<128x128xf32, #tpu.memory_space<vmem>>
        %dma_wait3A_216 = arith.constant 0 : i32
        %dma_wait3A_217 = arith.constant 0 : i32
        %dma_wait3A_218 = tpu.memref_slice %dma_wait3A_215[%dma_wait3A_216, %dma_wait3A_217] : memref<128x128xf32, #tpu.memory_space<vmem>> -> memref<16x128xf32, #tpu.memory_space<vmem>>
        %dma_wait3A_219 = arith.constant 0 : i32
        %dma_wait3A_220 = tpu.memref_slice %arg9[%add3A_194, %dma_wait3A_219] : memref<10240x128xf32, #tpu.memory_space<vmem_shared>> -> memref<16x128xf32, #tpu.memory_space<vmem_shared>>
        %dma_wait3A_221 = arith.constant 0 : i32
        %dma_wait3A_222 = tpu.memref_slice %arg9[%add3A_194, %dma_wait3A_221] : memref<10240x128xf32, #tpu.memory_space<vmem_shared>> -> memref<16x128xf32, #tpu.memory_space<vmem_shared>>
        %dma_wait3A_223 = arith.constant 0 : i32
        %dma_wait3A_224 = arith.constant 0 : i32
        %dma_wait3A_225 = tpu.memref_slice %arg8[%scan3A_9, %dma_wait3A_223, %dma_wait3A_224] : memref<2x128x128xf32, #tpu.memory_space<vmem>> -> memref<1x128x128xf32, #tpu.memory_space<vmem>>
        %dma_wait3A_226 = tpu.memref_squeeze %dma_wait3A_225 : memref<1x128x128xf32, #tpu.memory_space<vmem>> -> memref<128x128xf32, #tpu.memory_space<vmem>>
        %dma_wait3A_227 = arith.constant 0 : i32
        %dma_wait3A_228 = arith.constant 0 : i32
        %dma_wait3A_229 = tpu.memref_slice %dma_wait3A_226[%dma_wait3A_227, %dma_wait3A_228] : memref<128x128xf32, #tpu.memory_space<vmem>> -> memref<16x128xf32, #tpu.memory_space<vmem>>
        tpu.wait_dma2 semaphore(%run_scoped3A : memref<!tpu.dma_semaphore, #tpu.memory_space<semaphore_mem>>) src(%dma_wait3A_229 : memref<16x128xf32, #tpu.memory_space<vmem>>) dst(%dma_wait3A_222 : memref<16x128xf32, #tpu.memory_space<vmem_shared>>)
        tpu.yield
      }) : () -> ()
    }
    %scan3A_14 = arith.constant 40 : i32
    %barrier3A = arith.constant 0 : index
    tpu.barrier barrier_id(%barrier3A)
    %dma_start3A = arith.constant 0 : i32
    %dma_start3A_15 = arith.constant 0 : i32
    %dma_start3A_16 = arith.constant 0 : i32
    %dma_start3A_17 = arith.constant 0 : i32
    %dma_start3A_18 = tpu.memref_slice %arg8[%dma_start3A_15, %dma_start3A_16, %dma_start3A_17] : memref<2x128x128xf32, #tpu.memory_space<vmem>> -> memref<1x128x128xf32, #tpu.memory_space<vmem>>
    %dma_start3A_19 = tpu.memref_squeeze %dma_start3A_18 : memref<1x128x128xf32, #tpu.memory_space<vmem>> -> memref<128x128xf32, #tpu.memory_space<vmem>>
    %dma_start3A_20 = arith.constant 0 : i32
    %dma_start3A_21 = arith.constant 0 : i32
    %dma_start3A_22 = tpu.memref_slice %dma_start3A_19[%dma_start3A_20, %dma_start3A_21] : memref<128x128xf32, #tpu.memory_space<vmem>> -> memref<32x128xf32, #tpu.memory_space<vmem>>
    %dma_start3A_23 = arith.constant 0 : i32
    %dma_start3A_24 = tpu.memref_slice %arg6[%dma_start3A, %dma_start3A_23] : memref<82x128xi32, #tpu.memory_space<vmem>> -> memref<1x128xi32, #tpu.memory_space<vmem>>
    %dma_start3A_25 = tpu.memref_squeeze %dma_start3A_24 : memref<1x128xi32, #tpu.memory_space<vmem>> -> memref<128xi32, #tpu.memory_space<vmem>>
    %dma_start3A_26 = arith.constant 0 : i32
    %dma_start3A_27 = tpu.memref_slice %dma_start3A_25[%dma_start3A_26] : memref<128xi32, #tpu.memory_space<vmem>> -> memref<32xi32, #tpu.memory_space<vmem>>
    %dma_start3A_28 = arith.constant 0 : i32
    %dma_start3A_29 = arith.constant 0 : i32
    %dma_start3A_30 = tpu.memref_slice %arg2[%dma_start3A_28, %dma_start3A_29] : memref<10000x128xf32, #tpu.memory_space<hbm>> -> memref<10000x128xf32, #tpu.memory_space<hbm>>
    tpu.enqueue_indirect_dma source(%dma_start3A_30 : memref<10000x128xf32, #tpu.memory_space<hbm>>) target(%dma_start3A_22 : memref<32x128xf32, #tpu.memory_space<vmem>>) offsets(%dma_start3A_27 : memref<32xi32, #tpu.memory_space<vmem>>) semaphore(%arg10 : memref<!tpu.dma_semaphore, #tpu.memory_space<semaphore_mem>>)
    %dma_start3A_31 = arith.constant 0 : i32
    %dma_start3A_32 = arith.constant 0 : i32
    %dma_start3A_33 = arith.constant 0 : i32
    %dma_start3A_34 = arith.constant 0 : i32
    %dma_start3A_35 = tpu.memref_slice %arg8[%dma_start3A_32, %dma_start3A_33, %dma_start3A_34] : memref<2x128x128xf32, #tpu.memory_space<vmem>> -> memref<1x128x128xf32, #tpu.memory_space<vmem>>
    %dma_start3A_36 = tpu.memref_squeeze %dma_start3A_35 : memref<1x128x128xf32, #tpu.memory_space<vmem>> -> memref<128x128xf32, #tpu.memory_space<vmem>>
    %dma_start3A_37 = arith.constant 32 : i32
    %dma_start3A_38 = arith.constant 0 : i32
    %dma_start3A_39 = tpu.memref_slice %dma_start3A_36[%dma_start3A_37, %dma_start3A_38] : memref<128x128xf32, #tpu.memory_space<vmem>> -> memref<32x128xf32, #tpu.memory_space<vmem>>
    %dma_start3A_40 = arith.constant 0 : i32
    %dma_start3A_41 = tpu.memref_slice %arg6[%dma_start3A_31, %dma_start3A_40] : memref<82x128xi32, #tpu.memory_space<vmem>> -> memref<1x128xi32, #tpu.memory_space<vmem>>
    %dma_start3A_42 = tpu.memref_squeeze %dma_start3A_41 : memref<1x128xi32, #tpu.memory_space<vmem>> -> memref<128xi32, #tpu.memory_space<vmem>>
    %dma_start3A_43 = arith.constant 32 : i32
    %dma_start3A_44 = tpu.memref_slice %dma_start3A_42[%dma_start3A_43] : memref<128xi32, #tpu.memory_space<vmem>> -> memref<32xi32, #tpu.memory_space<vmem>>
    %dma_start3A_45 = arith.constant 0 : i32
    %dma_start3A_46 = arith.constant 0 : i32
    %dma_start3A_47 = tpu.memref_slice %arg2[%dma_start3A_45, %dma_start3A_46] : memref<10000x128xf32, #tpu.memory_space<hbm>> -> memref<10000x128xf32, #tpu.memory_space<hbm>>
    tpu.enqueue_indirect_dma source(%dma_start3A_47 : memref<10000x128xf32, #tpu.memory_space<hbm>>) target(%dma_start3A_39 : memref<32x128xf32, #tpu.memory_space<vmem>>) offsets(%dma_start3A_44 : memref<32xi32, #tpu.memory_space<vmem>>) semaphore(%arg10 : memref<!tpu.dma_semaphore, #tpu.memory_space<semaphore_mem>>)
    %dma_start3A_48 = arith.constant 0 : i32
    %dma_start3A_49 = arith.constant 0 : i32
    %dma_start3A_50 = arith.constant 0 : i32
    %dma_start3A_51 = arith.constant 0 : i32
    %dma_start3A_52 = tpu.memref_slice %arg8[%dma_start3A_49, %dma_start3A_50, %dma_start3A_51] : memref<2x128x128xf32, #tpu.memory_space<vmem>> -> memref<1x128x128xf32, #tpu.memory_space<vmem>>
    %dma_start3A_53 = tpu.memref_squeeze %dma_start3A_52 : memref<1x128x128xf32, #tpu.memory_space<vmem>> -> memref<128x128xf32, #tpu.memory_space<vmem>>
    %dma_start3A_54 = arith.constant 64 : i32
    %dma_start3A_55 = arith.constant 0 : i32
    %dma_start3A_56 = tpu.memref_slice %dma_start3A_53[%dma_start3A_54, %dma_start3A_55] : memref<128x128xf32, #tpu.memory_space<vmem>> -> memref<32x128xf32, #tpu.memory_space<vmem>>
    %dma_start3A_57 = arith.constant 0 : i32
    %dma_start3A_58 = tpu.memref_slice %arg6[%dma_start3A_48, %dma_start3A_57] : memref<82x128xi32, #tpu.memory_space<vmem>> -> memref<1x128xi32, #tpu.memory_space<vmem>>
    %dma_start3A_59 = tpu.memref_squeeze %dma_start3A_58 : memref<1x128xi32, #tpu.memory_space<vmem>> -> memref<128xi32, #tpu.memory_space<vmem>>
    %dma_start3A_60 = arith.constant 64 : i32
    %dma_start3A_61 = tpu.memref_slice %dma_start3A_59[%dma_start3A_60] : memref<128xi32, #tpu.memory_space<vmem>> -> memref<32xi32, #tpu.memory_space<vmem>>
    %dma_start3A_62 = arith.constant 0 : i32
    %dma_start3A_63 = arith.constant 0 : i32
    %dma_start3A_64 = tpu.memref_slice %arg2[%dma_start3A_62, %dma_start3A_63] : memref<10000x128xf32, #tpu.memory_space<hbm>> -> memref<10000x128xf32, #tpu.memory_space<hbm>>
    tpu.enqueue_indirect_dma source(%dma_start3A_64 : memref<10000x128xf32, #tpu.memory_space<hbm>>) target(%dma_start3A_56 : memref<32x128xf32, #tpu.memory_space<vmem>>) offsets(%dma_start3A_61 : memref<32xi32, #tpu.memory_space<vmem>>) semaphore(%arg10 : memref<!tpu.dma_semaphore, #tpu.memory_space<semaphore_mem>>)
    %dma_start3A_65 = arith.constant 0 : i32
    %dma_start3A_66 = arith.constant 0 : i32
    %dma_start3A_67 = arith.constant 0 : i32
    %dma_start3A_68 = arith.constant 0 : i32
    %dma_start3A_69 = tpu.memref_slice %arg8[%dma_start3A_66, %dma_start3A_67, %dma_start3A_68] : memref<2x128x128xf32, #tpu.memory_space<vmem>> -> memref<1x128x128xf32, #tpu.memory_space<vmem>>
    %dma_start3A_70 = tpu.memref_squeeze %dma_start3A_69 : memref<1x128x128xf32, #tpu.memory_space<vmem>> -> memref<128x128xf32, #tpu.memory_space<vmem>>
    %dma_start3A_71 = arith.constant 96 : i32
    %dma_start3A_72 = arith.constant 0 : i32
    %dma_start3A_73 = tpu.memref_slice %dma_start3A_70[%dma_start3A_71, %dma_start3A_72] : memref<128x128xf32, #tpu.memory_space<vmem>> -> memref<32x128xf32, #tpu.memory_space<vmem>>
    %dma_start3A_74 = arith.constant 0 : i32
    %dma_start3A_75 = tpu.memref_slice %arg6[%dma_start3A_65, %dma_start3A_74] : memref<82x128xi32, #tpu.memory_space<vmem>> -> memref<1x128xi32, #tpu.memory_space<vmem>>
    %dma_start3A_76 = tpu.memref_squeeze %dma_start3A_75 : memref<1x128xi32, #tpu.memory_space<vmem>> -> memref<128xi32, #tpu.memory_space<vmem>>
    %dma_start3A_77 = arith.constant 96 : i32
    %dma_start3A_78 = tpu.memref_slice %dma_start3A_76[%dma_start3A_77] : memref<128xi32, #tpu.memory_space<vmem>> -> memref<32xi32, #tpu.memory_space<vmem>>
    %dma_start3A_79 = arith.constant 0 : i32
    %dma_start3A_80 = arith.constant 0 : i32
    %dma_start3A_81 = tpu.memref_slice %arg2[%dma_start3A_79, %dma_start3A_80] : memref<10000x128xf32, #tpu.memory_space<hbm>> -> memref<10000x128xf32, #tpu.memory_space<hbm>>
    tpu.enqueue_indirect_dma source(%dma_start3A_81 : memref<10000x128xf32, #tpu.memory_space<hbm>>) target(%dma_start3A_73 : memref<32x128xf32, #tpu.memory_space<vmem>>) offsets(%dma_start3A_78 : memref<32xi32, #tpu.memory_space<vmem>>) semaphore(%arg10 : memref<!tpu.dma_semaphore, #tpu.memory_space<semaphore_mem>>)
    %dma_start3A_82 = arith.constant 0 : i32
    %dma_start3A_83 = arith.constant 0 : i32
    %dma_start3A_84 = arith.constant 0 : i32
    %dma_start3A_85 = tpu.memref_slice %arg7[%dma_start3A_83, %dma_start3A_84] : memref<2x128xi32, #tpu.memory_space<vmem>> -> memref<1x128xi32, #tpu.memory_space<vmem>>
    %dma_start3A_86 = tpu.memref_squeeze %dma_start3A_85 : memref<1x128xi32, #tpu.memory_space<vmem>> -> memref<128xi32, #tpu.memory_space<vmem>>
    %dma_start3A_87 = arith.constant 0 : i32
    %dma_start3A_88 = tpu.memref_slice %arg4[%add3A, %dma_start3A_82, %dma_start3A_87] : memref<32x82x128xi32, #tpu.memory_space<hbm>> -> memref<1x1x128xi32, #tpu.memory_space<hbm>>
    %dma_start3A_89 = tpu.memref_squeeze %dma_start3A_88 : memref<1x1x128xi32, #tpu.memory_space<hbm>> -> memref<128xi32, #tpu.memory_space<hbm>>
    %dma_start3A_90 = arith.constant 0 : i32
    %dma_start3A_91 = tpu.memref_slice %arg7[%dma_start3A_83, %dma_start3A_90] : memref<2x128xi32, #tpu.memory_space<vmem>> -> memref<1x128xi32, #tpu.memory_space<vmem>>
    %dma_start3A_92 = tpu.memref_squeeze %dma_start3A_91 : memref<1x128xi32, #tpu.memory_space<vmem>> -> memref<128xi32, #tpu.memory_space<vmem>>
    %dma_start3A_93 = arith.constant 0 : i32
    %dma_start3A_94 = tpu.memref_slice %arg4[%add3A, %dma_start3A_82, %dma_start3A_93] : memref<32x82x128xi32, #tpu.memory_space<hbm>> -> memref<1x1x128xi32, #tpu.memory_space<hbm>>
    %dma_start3A_95 = tpu.memref_squeeze %dma_start3A_94 : memref<1x1x128xi32, #tpu.memory_space<hbm>> -> memref<128xi32, #tpu.memory_space<hbm>>
    tpu.enqueue_dma source(%dma_start3A_95 : memref<128xi32, #tpu.memory_space<hbm>>) target(%dma_start3A_92 : memref<128xi32, #tpu.memory_space<vmem>>) target_semaphore(%arg11 : memref<!tpu.dma_semaphore, #tpu.memory_space<semaphore_mem>>)
    %dma_start3A_96 = arith.constant 1 : i32
    %dma_start3A_97 = arith.constant 1 : i32
    %dma_start3A_98 = arith.constant 0 : i32
    %dma_start3A_99 = arith.constant 0 : i32
    %dma_start3A_100 = tpu.memref_slice %arg8[%dma_start3A_97, %dma_start3A_98, %dma_start3A_99] : memref<2x128x128xf32, #tpu.memory_space<vmem>> -> memref<1x128x128xf32, #tpu.memory_space<vmem>>
    %dma_start3A_101 = tpu.memref_squeeze %dma_start3A_100 : memref<1x128x128xf32, #tpu.memory_space<vmem>> -> memref<128x128xf32, #tpu.memory_space<vmem>>
    %dma_start3A_102 = arith.constant 0 : i32
    %dma_start3A_103 = arith.constant 0 : i32
    %dma_start3A_104 = tpu.memref_slice %dma_start3A_101[%dma_start3A_102, %dma_start3A_103] : memref<128x128xf32, #tpu.memory_space<vmem>> -> memref<32x128xf32, #tpu.memory_space<vmem>>
    %dma_start3A_105 = arith.constant 0 : i32
    %dma_start3A_106 = tpu.memref_slice %arg6[%dma_start3A_96, %dma_start3A_105] : memref<82x128xi32, #tpu.memory_space<vmem>> -> memref<1x128xi32, #tpu.memory_space<vmem>>
    %dma_start3A_107 = tpu.memref_squeeze %dma_start3A_106 : memref<1x128xi32, #tpu.memory_space<vmem>> -> memref<128xi32, #tpu.memory_space<vmem>>
    %dma_start3A_108 = arith.constant 0 : i32
    %dma_start3A_109 = tpu.memref_slice %dma_start3A_107[%dma_start3A_108] : memref<128xi32, #tpu.memory_space<vmem>> -> memref<32xi32, #tpu.memory_space<vmem>>
    %dma_start3A_110 = arith.constant 0 : i32
    %dma_start3A_111 = arith.constant 0 : i32
    %dma_start3A_112 = tpu.memref_slice %arg2[%dma_start3A_110, %dma_start3A_111] : memref<10000x128xf32, #tpu.memory_space<hbm>> -> memref<10000x128xf32, #tpu.memory_space<hbm>>
    tpu.enqueue_indirect_dma source(%dma_start3A_112 : memref<10000x128xf32, #tpu.memory_space<hbm>>) target(%dma_start3A_104 : memref<32x128xf32, #tpu.memory_space<vmem>>) offsets(%dma_start3A_109 : memref<32xi32, #tpu.memory_space<vmem>>) semaphore(%arg10 : memref<!tpu.dma_semaphore, #tpu.memory_space<semaphore_mem>>)
    %dma_start3A_113 = arith.constant 1 : i32
    %dma_start3A_114 = arith.constant 1 : i32
    %dma_start3A_115 = arith.constant 0 : i32
    %dma_start3A_116 = arith.constant 0 : i32
    %dma_start3A_117 = tpu.memref_slice %arg8[%dma_start3A_114, %dma_start3A_115, %dma_start3A_116] : memref<2x128x128xf32, #tpu.memory_space<vmem>> -> memref<1x128x128xf32, #tpu.memory_space<vmem>>
    %dma_start3A_118 = tpu.memref_squeeze %dma_start3A_117 : memref<1x128x128xf32, #tpu.memory_space<vmem>> -> memref<128x128xf32, #tpu.memory_space<vmem>>
    %dma_start3A_119 = arith.constant 32 : i32
    %dma_start3A_120 = arith.constant 0 : i32
    %dma_start3A_121 = tpu.memref_slice %dma_start3A_118[%dma_start3A_119, %dma_start3A_120] : memref<128x128xf32, #tpu.memory_space<vmem>> -> memref<32x128xf32, #tpu.memory_space<vmem>>
    %dma_start3A_122 = arith.constant 0 : i32
    %dma_start3A_123 = tpu.memref_slice %arg6[%dma_start3A_113, %dma_start3A_122] : memref<82x128xi32, #tpu.memory_space<vmem>> -> memref<1x128xi32, #tpu.memory_space<vmem>>
    %dma_start3A_124 = tpu.memref_squeeze %dma_start3A_123 : memref<1x128xi32, #tpu.memory_space<vmem>> -> memref<128xi32, #tpu.memory_space<vmem>>
    %dma_start3A_125 = arith.constant 32 : i32
    %dma_start3A_126 = tpu.memref_slice %dma_start3A_124[%dma_start3A_125] : memref<128xi32, #tpu.memory_space<vmem>> -> memref<32xi32, #tpu.memory_space<vmem>>
    %dma_start3A_127 = arith.constant 0 : i32
    %dma_start3A_128 = arith.constant 0 : i32
    %dma_start3A_129 = tpu.memref_slice %arg2[%dma_start3A_127, %dma_start3A_128] : memref<10000x128xf32, #tpu.memory_space<hbm>> -> memref<10000x128xf32, #tpu.memory_space<hbm>>
    tpu.enqueue_indirect_dma source(%dma_start3A_129 : memref<10000x128xf32, #tpu.memory_space<hbm>>) target(%dma_start3A_121 : memref<32x128xf32, #tpu.memory_space<vmem>>) offsets(%dma_start3A_126 : memref<32xi32, #tpu.memory_space<vmem>>) semaphore(%arg10 : memref<!tpu.dma_semaphore, #tpu.memory_space<semaphore_mem>>)
    %dma_start3A_130 = arith.constant 1 : i32
    %dma_start3A_131 = arith.constant 1 : i32
    %dma_start3A_132 = arith.constant 0 : i32
    %dma_start3A_133 = arith.constant 0 : i32
    %dma_start3A_134 = tpu.memref_slice %arg8[%dma_start3A_131, %dma_start3A_132, %dma_start3A_133] : memref<2x128x128xf32, #tpu.memory_space<vmem>> -> memref<1x128x128xf32, #tpu.memory_space<vmem>>
    %dma_start3A_135 = tpu.memref_squeeze %dma_start3A_134 : memref<1x128x128xf32, #tpu.memory_space<vmem>> -> memref<128x128xf32, #tpu.memory_space<vmem>>
    %dma_start3A_136 = arith.constant 64 : i32
    %dma_start3A_137 = arith.constant 0 : i32
    %dma_start3A_138 = tpu.memref_slice %dma_start3A_135[%dma_start3A_136, %dma_start3A_137] : memref<128x128xf32, #tpu.memory_space<vmem>> -> memref<32x128xf32, #tpu.memory_space<vmem>>
    %dma_start3A_139 = arith.constant 0 : i32
    %dma_start3A_140 = tpu.memref_slice %arg6[%dma_start3A_130, %dma_start3A_139] : memref<82x128xi32, #tpu.memory_space<vmem>> -> memref<1x128xi32, #tpu.memory_space<vmem>>
    %dma_start3A_141 = tpu.memref_squeeze %dma_start3A_140 : memref<1x128xi32, #tpu.memory_space<vmem>> -> memref<128xi32, #tpu.memory_space<vmem>>
    %dma_start3A_142 = arith.constant 64 : i32
    %dma_start3A_143 = tpu.memref_slice %dma_start3A_141[%dma_start3A_142] : memref<128xi32, #tpu.memory_space<vmem>> -> memref<32xi32, #tpu.memory_space<vmem>>
    %dma_start3A_144 = arith.constant 0 : i32
    %dma_start3A_145 = arith.constant 0 : i32
    %dma_start3A_146 = tpu.memref_slice %arg2[%dma_start3A_144, %dma_start3A_145] : memref<10000x128xf32, #tpu.memory_space<hbm>> -> memref<10000x128xf32, #tpu.memory_space<hbm>>
    tpu.enqueue_indirect_dma source(%dma_start3A_146 : memref<10000x128xf32, #tpu.memory_space<hbm>>) target(%dma_start3A_138 : memref<32x128xf32, #tpu.memory_space<vmem>>) offsets(%dma_start3A_143 : memref<32xi32, #tpu.memory_space<vmem>>) semaphore(%arg10 : memref<!tpu.dma_semaphore, #tpu.memory_space<semaphore_mem>>)
    %dma_start3A_147 = arith.constant 1 : i32
    %dma_start3A_148 = arith.constant 1 : i32
    %dma_start3A_149 = arith.constant 0 : i32
    %dma_start3A_150 = arith.constant 0 : i32
    %dma_start3A_151 = tpu.memref_slice %arg8[%dma_start3A_148, %dma_start3A_149, %dma_start3A_150] : memref<2x128x128xf32, #tpu.memory_space<vmem>> -> memref<1x128x128xf32, #tpu.memory_space<vmem>>
    %dma_start3A_152 = tpu.memref_squeeze %dma_start3A_151 : memref<1x128x128xf32, #tpu.memory_space<vmem>> -> memref<128x128xf32, #tpu.memory_space<vmem>>
    %dma_start3A_153 = arith.constant 96 : i32
    %dma_start3A_154 = arith.constant 0 : i32
    %dma_start3A_155 = tpu.memref_slice %dma_start3A_152[%dma_start3A_153, %dma_start3A_154] : memref<128x128xf32, #tpu.memory_space<vmem>> -> memref<32x128xf32, #tpu.memory_space<vmem>>
    %dma_start3A_156 = arith.constant 0 : i32
    %dma_start3A_157 = tpu.memref_slice %arg6[%dma_start3A_147, %dma_start3A_156] : memref<82x128xi32, #tpu.memory_space<vmem>> -> memref<1x128xi32, #tpu.memory_space<vmem>>
    %dma_start3A_158 = tpu.memref_squeeze %dma_start3A_157 : memref<1x128xi32, #tpu.memory_space<vmem>> -> memref<128xi32, #tpu.memory_space<vmem>>
    %dma_start3A_159 = arith.constant 96 : i32
    %dma_start3A_160 = tpu.memref_slice %dma_start3A_158[%dma_start3A_159] : memref<128xi32, #tpu.memory_space<vmem>> -> memref<32xi32, #tpu.memory_space<vmem>>
    %dma_start3A_161 = arith.constant 0 : i32
    %dma_start3A_162 = arith.constant 0 : i32
    %dma_start3A_163 = tpu.memref_slice %arg2[%dma_start3A_161, %dma_start3A_162] : memref<10000x128xf32, #tpu.memory_space<hbm>> -> memref<10000x128xf32, #tpu.memory_space<hbm>>
    tpu.enqueue_indirect_dma source(%dma_start3A_163 : memref<10000x128xf32, #tpu.memory_space<hbm>>) target(%dma_start3A_155 : memref<32x128xf32, #tpu.memory_space<vmem>>) offsets(%dma_start3A_160 : memref<32xi32, #tpu.memory_space<vmem>>) semaphore(%arg10 : memref<!tpu.dma_semaphore, #tpu.memory_space<semaphore_mem>>)
    %dma_start3A_164 = arith.constant 1 : i32
    %dma_start3A_165 = arith.constant 1 : i32
    %dma_start3A_166 = arith.constant 0 : i32
    %dma_start3A_167 = tpu.memref_slice %arg7[%dma_start3A_165, %dma_start3A_166] : memref<2x128xi32, #tpu.memory_space<vmem>> -> memref<1x128xi32, #tpu.memory_space<vmem>>
    %dma_start3A_168 = tpu.memref_squeeze %dma_start3A_167 : memref<1x128xi32, #tpu.memory_space<vmem>> -> memref<128xi32, #tpu.memory_space<vmem>>
    %dma_start3A_169 = arith.constant 0 : i32
    %dma_start3A_170 = tpu.memref_slice %arg4[%add3A, %dma_start3A_164, %dma_start3A_169] : memref<32x82x128xi32, #tpu.memory_space<hbm>> -> memref<1x1x128xi32, #tpu.memory_space<hbm>>
    %dma_start3A_171 = tpu.memref_squeeze %dma_start3A_170 : memref<1x1x128xi32, #tpu.memory_space<hbm>> -> memref<128xi32, #tpu.memory_space<hbm>>
    %dma_start3A_172 = arith.constant 0 : i32
    %dma_start3A_173 = tpu.memref_slice %arg7[%dma_start3A_165, %dma_start3A_172] : memref<2x128xi32, #tpu.memory_space<vmem>> -> memref<1x128xi32, #tpu.memory_space<vmem>>
    %dma_start3A_174 = tpu.memref_squeeze %dma_start3A_173 : memref<1x128xi32, #tpu.memory_space<vmem>> -> memref<128xi32, #tpu.memory_space<vmem>>
    %dma_start3A_175 = arith.constant 0 : i32
    %dma_start3A_176 = tpu.memref_slice %arg4[%add3A, %dma_start3A_164, %dma_start3A_175] : memref<32x82x128xi32, #tpu.memory_space<hbm>> -> memref<1x1x128xi32, #tpu.memory_space<hbm>>
    %dma_start3A_177 = tpu.memref_squeeze %dma_start3A_176 : memref<1x1x128xi32, #tpu.memory_space<hbm>> -> memref<128xi32, #tpu.memory_space<hbm>>
    tpu.enqueue_dma source(%dma_start3A_177 : memref<128xi32, #tpu.memory_space<hbm>>) target(%dma_start3A_174 : memref<128xi32, #tpu.memory_space<vmem>>) target_semaphore(%arg11 : memref<!tpu.dma_semaphore, #tpu.memory_space<semaphore_mem>>)
    %scan3A_178 = arith.constant 0 : i32
    %scan3A_179 = arith.constant 0 : i32
    %scan3A_180 = arith.constant 82 : i32
    %scan3A_181 = arith.addi %scan3A_179, %scan3A_180 : i32
    %scan3A_182 = arith.constant 1 : i32
    scf.for %scan3A_189 = %scan3A_179 to %scan3A_181 step %scan3A_182  : i32 {
      %rem3A = arith.constant 2 : i32
      %rem3A_190 = arith.remsi %scan3A_189, %rem3A : i32
      %dma_wait3A = arith.constant 0 : i32
      %dma_wait3A_191 = arith.constant 0 : i32
      %dma_wait3A_192 = tpu.memref_slice %arg8[%rem3A_190, %dma_wait3A, %dma_wait3A_191] : memref<2x128x128xf32, #tpu.memory_space<vmem>> -> memref<1x128x128xf32, #tpu.memory_space<vmem>>
      %dma_wait3A_193 = tpu.memref_squeeze %dma_wait3A_192 : memref<1x128x128xf32, #tpu.memory_space<vmem>> -> memref<128x128xf32, #tpu.memory_space<vmem>>
      %dma_wait3A_194 = arith.constant 0 : i32
      %dma_wait3A_195 = arith.constant 0 : i32
      %dma_wait3A_196 = tpu.memref_slice %dma_wait3A_193[%dma_wait3A_194, %dma_wait3A_195] : memref<128x128xf32, #tpu.memory_space<vmem>> -> memref<32x128xf32, #tpu.memory_space<vmem>>
      %dma_wait3A_197 = arith.constant 0 : i32
      %dma_wait3A_198 = tpu.memref_slice %arg6[%scan3A_189, %dma_wait3A_197] : memref<82x128xi32, #tpu.memory_space<vmem>> -> memref<1x128xi32, #tpu.memory_space<vmem>>
      %dma_wait3A_199 = tpu.memref_squeeze %dma_wait3A_198 : memref<1x128xi32, #tpu.memory_space<vmem>> -> memref<128xi32, #tpu.memory_space<vmem>>
      %dma_wait3A_200 = arith.constant 0 : i32
      %dma_wait3A_201 = tpu.memref_slice %dma_wait3A_199[%dma_wait3A_200] : memref<128xi32, #tpu.memory_space<vmem>> -> memref<32xi32, #tpu.memory_space<vmem>>
      %dma_wait3A_202 = arith.constant 0 : i32
      %dma_wait3A_203 = arith.constant 0 : i32
      %dma_wait3A_204 = tpu.memref_slice %arg2[%dma_wait3A_202, %dma_wait3A_203] : memref<10000x128xf32, #tpu.memory_space<hbm>> -> memref<10000x128xf32, #tpu.memory_space<hbm>>
      tpu.wait_indirect_dma semaphore(%arg10 : memref<!tpu.dma_semaphore, #tpu.memory_space<semaphore_mem>>) src(%dma_wait3A_204 : memref<10000x128xf32, #tpu.memory_space<hbm>>) dst(%dma_wait3A_196 : memref<32x128xf32, #tpu.memory_space<vmem>>)
      %dma_wait3A_205 = arith.constant 0 : i32
      %dma_wait3A_206 = arith.constant 0 : i32
      %dma_wait3A_207 = tpu.memref_slice %arg8[%rem3A_190, %dma_wait3A_205, %dma_wait3A_206] : memref<2x128x128xf32, #tpu.memory_space<vmem>> -> memref<1x128x128xf32, #tpu.memory_space<vmem>>
      %dma_wait3A_208 = tpu.memref_squeeze %dma_wait3A_207 : memref<1x128x128xf32, #tpu.memory_space<vmem>> -> memref<128x128xf32, #tpu.memory_space<vmem>>
      %dma_wait3A_209 = arith.constant 32 : i32
      %dma_wait3A_210 = arith.constant 0 : i32
      %dma_wait3A_211 = tpu.memref_slice %dma_wait3A_208[%dma_wait3A_209, %dma_wait3A_210] : memref<128x128xf32, #tpu.memory_space<vmem>> -> memref<32x128xf32, #tpu.memory_space<vmem>>
      %dma_wait3A_212 = arith.constant 0 : i32
      %dma_wait3A_213 = tpu.memref_slice %arg6[%scan3A_189, %dma_wait3A_212] : memref<82x128xi32, #tpu.memory_space<vmem>> -> memref<1x128xi32, #tpu.memory_space<vmem>>
      %dma_wait3A_214 = tpu.memref_squeeze %dma_wait3A_213 : memref<1x128xi32, #tpu.memory_space<vmem>> -> memref<128xi32, #tpu.memory_space<vmem>>
      %dma_wait3A_215 = arith.constant 32 : i32
      %dma_wait3A_216 = tpu.memref_slice %dma_wait3A_214[%dma_wait3A_215] : memref<128xi32, #tpu.memory_space<vmem>> -> memref<32xi32, #tpu.memory_space<vmem>>
      %dma_wait3A_217 = arith.constant 0 : i32
      %dma_wait3A_218 = arith.constant 0 : i32
      %dma_wait3A_219 = tpu.memref_slice %arg2[%dma_wait3A_217, %dma_wait3A_218] : memref<10000x128xf32, #tpu.memory_space<hbm>> -> memref<10000x128xf32, #tpu.memory_space<hbm>>
      tpu.wait_indirect_dma semaphore(%arg10 : memref<!tpu.dma_semaphore, #tpu.memory_space<semaphore_mem>>) src(%dma_wait3A_219 : memref<10000x128xf32, #tpu.memory_space<hbm>>) dst(%dma_wait3A_211 : memref<32x128xf32, #tpu.memory_space<vmem>>)
      %dma_wait3A_220 = arith.constant 0 : i32
      %dma_wait3A_221 = arith.constant 0 : i32
      %dma_wait3A_222 = tpu.memref_slice %arg8[%rem3A_190, %dma_wait3A_220, %dma_wait3A_221] : memref<2x128x128xf32, #tpu.memory_space<vmem>> -> memref<1x128x128xf32, #tpu.memory_space<vmem>>
      %dma_wait3A_223 = tpu.memref_squeeze %dma_wait3A_222 : memref<1x128x128xf32, #tpu.memory_space<vmem>> -> memref<128x128xf32, #tpu.memory_space<vmem>>
      %dma_wait3A_224 = arith.constant 64 : i32
      %dma_wait3A_225 = arith.constant 0 : i32
      %dma_wait3A_226 = tpu.memref_slice %dma_wait3A_223[%dma_wait3A_224, %dma_wait3A_225] : memref<128x128xf32, #tpu.memory_space<vmem>> -> memref<32x128xf32, #tpu.memory_space<vmem>>
      %dma_wait3A_227 = arith.constant 0 : i32
      %dma_wait3A_228 = tpu.memref_slice %arg6[%scan3A_189, %dma_wait3A_227] : memref<82x128xi32, #tpu.memory_space<vmem>> -> memref<1x128xi32, #tpu.memory_space<vmem>>
      %dma_wait3A_229 = tpu.memref_squeeze %dma_wait3A_228 : memref<1x128xi32, #tpu.memory_space<vmem>> -> memref<128xi32, #tpu.memory_space<vmem>>
      %dma_wait3A_230 = arith.constant 64 : i32
      %dma_wait3A_231 = tpu.memref_slice %dma_wait3A_229[%dma_wait3A_230] : memref<128xi32, #tpu.memory_space<vmem>> -> memref<32xi32, #tpu.memory_space<vmem>>
      %dma_wait3A_232 = arith.constant 0 : i32
      %dma_wait3A_233 = arith.constant 0 : i32
      %dma_wait3A_234 = tpu.memref_slice %arg2[%dma_wait3A_232, %dma_wait3A_233] : memref<10000x128xf32, #tpu.memory_space<hbm>> -> memref<10000x128xf32, #tpu.memory_space<hbm>>
      tpu.wait_indirect_dma semaphore(%arg10 : memref<!tpu.dma_semaphore, #tpu.memory_space<semaphore_mem>>) src(%dma_wait3A_234 : memref<10000x128xf32, #tpu.memory_space<hbm>>) dst(%dma_wait3A_226 : memref<32x128xf32, #tpu.memory_space<vmem>>)
      %dma_wait3A_235 = arith.constant 0 : i32
      %dma_wait3A_236 = arith.constant 0 : i32
      %dma_wait3A_237 = tpu.memref_slice %arg8[%rem3A_190, %dma_wait3A_235, %dma_wait3A_236] : memref<2x128x128xf32, #tpu.memory_space<vmem>> -> memref<1x128x128xf32, #tpu.memory_space<vmem>>
      %dma_wait3A_238 = tpu.memref_squeeze %dma_wait3A_237 : memref<1x128x128xf32, #tpu.memory_space<vmem>> -> memref<128x128xf32, #tpu.memory_space<vmem>>
      %dma_wait3A_239 = arith.constant 96 : i32
      %dma_wait3A_240 = arith.constant 0 : i32
      %dma_wait3A_241 = tpu.memref_slice %dma_wait3A_238[%dma_wait3A_239, %dma_wait3A_240] : memref<128x128xf32, #tpu.memory_space<vmem>> -> memref<32x128xf32, #tpu.memory_space<vmem>>
      %dma_wait3A_242 = arith.constant 0 : i32
      %dma_wait3A_243 = tpu.memref_slice %arg6[%scan3A_189, %dma_wait3A_242] : memref<82x128xi32, #tpu.memory_space<vmem>> -> memref<1x128xi32, #tpu.memory_space<vmem>>
      %dma_wait3A_244 = tpu.memref_squeeze %dma_wait3A_243 : memref<1x128xi32, #tpu.memory_space<vmem>> -> memref<128xi32, #tpu.memory_space<vmem>>
      %dma_wait3A_245 = arith.constant 96 : i32
      %dma_wait3A_246 = tpu.memref_slice %dma_wait3A_244[%dma_wait3A_245] : memref<128xi32, #tpu.memory_space<vmem>> -> memref<32xi32, #tpu.memory_space<vmem>>
      %dma_wait3A_247 = arith.constant 0 : i32
      %dma_wait3A_248 = arith.constant 0 : i32
      %dma_wait3A_249 = tpu.memref_slice %arg2[%dma_wait3A_247, %dma_wait3A_248] : memref<10000x128xf32, #tpu.memory_space<hbm>> -> memref<10000x128xf32, #tpu.memory_space<hbm>>
      tpu.wait_indirect_dma semaphore(%arg10 : memref<!tpu.dma_semaphore, #tpu.memory_space<semaphore_mem>>) src(%dma_wait3A_249 : memref<10000x128xf32, #tpu.memory_space<hbm>>) dst(%dma_wait3A_241 : memref<32x128xf32, #tpu.memory_space<vmem>>)
      %dma_wait3A_250 = arith.constant 0 : i32
      %dma_wait3A_251 = tpu.memref_slice %arg7[%rem3A_190, %dma_wait3A_250] : memref<2x128xi32, #tpu.memory_space<vmem>> -> memref<1x128xi32, #tpu.memory_space<vmem>>
      %dma_wait3A_252 = tpu.memref_squeeze %dma_wait3A_251 : memref<1x128xi32, #tpu.memory_space<vmem>> -> memref<128xi32, #tpu.memory_space<vmem>>
      %dma_wait3A_253 = arith.constant 0 : i32
      %dma_wait3A_254 = tpu.memref_slice %arg4[%add3A, %scan3A_189, %dma_wait3A_253] : memref<32x82x128xi32, #tpu.memory_space<hbm>> -> memref<1x1x128xi32, #tpu.memory_space<hbm>>
      %dma_wait3A_255 = tpu.memref_squeeze %dma_wait3A_254 : memref<1x1x128xi32, #tpu.memory_space<hbm>> -> memref<128xi32, #tpu.memory_space<hbm>>
      %dma_wait3A_256 = arith.constant 0 : i32
      %dma_wait3A_257 = tpu.memref_slice %arg7[%rem3A_190, %dma_wait3A_256] : memref<2x128xi32, #tpu.memory_space<vmem>> -> memref<1x128xi32, #tpu.memory_space<vmem>>
      %dma_wait3A_258 = tpu.memref_squeeze %dma_wait3A_257 : memref<1x128xi32, #tpu.memory_space<vmem>> -> memref<128xi32, #tpu.memory_space<vmem>>
      %dma_wait3A_259 = arith.constant 0 : i32
      %dma_wait3A_260 = tpu.memref_slice %arg4[%add3A, %scan3A_189, %dma_wait3A_259] : memref<32x82x128xi32, #tpu.memory_space<hbm>> -> memref<1x1x128xi32, #tpu.memory_space<hbm>>
      %dma_wait3A_261 = tpu.memref_squeeze %dma_wait3A_260 : memref<1x1x128xi32, #tpu.memory_space<hbm>> -> memref<128xi32, #tpu.memory_space<hbm>>
      tpu.wait_dma2 semaphore(%arg11 : memref<!tpu.dma_semaphore, #tpu.memory_space<semaphore_mem>>) src(%dma_wait3A_261 : memref<128xi32, #tpu.memory_space<hbm>>) dst(%dma_wait3A_258 : memref<128xi32, #tpu.memory_space<vmem>>)
      "tpu.region"() ({
        %run_scoped3A = tpu.sem_alloc : memref<!tpu.dma_semaphore, #tpu.memory_space<semaphore_mem>>
        %dma_start3A_266 = arith.constant 0 : i32
        %dma_start3A_267 = arith.constant 0 : i32
        %dma_start3A_268 = tpu.memref_slice %arg8[%rem3A_190, %dma_start3A_266, %dma_start3A_267] : memref<2x128x128xf32, #tpu.memory_space<vmem>> -> memref<1x128x128xf32, #tpu.memory_space<vmem>>
        %dma_start3A_269 = tpu.memref_squeeze %dma_start3A_268 : memref<1x128x128xf32, #tpu.memory_space<vmem>> -> memref<128x128xf32, #tpu.memory_space<vmem>>
        %dma_start3A_270 = arith.constant 0 : i32
        %dma_start3A_271 = tpu.memref_slice %arg7[%rem3A_190, %dma_start3A_270] : memref<2x128xi32, #tpu.memory_space<vmem>> -> memref<1x128xi32, #tpu.memory_space<vmem>>
        %dma_start3A_272 = tpu.memref_squeeze %dma_start3A_271 : memref<1x128xi32, #tpu.memory_space<vmem>> -> memref<128xi32, #tpu.memory_space<vmem>>
        %dma_start3A_273 = arith.constant 0 : i32
        %dma_start3A_274 = arith.constant 0 : i32
        %dma_start3A_275 = tpu.memref_slice %arg9[%dma_start3A_273, %dma_start3A_274] : memref<10240x128xf32, #tpu.memory_space<vmem_shared>> -> memref<10240x128xf32, #tpu.memory_space<vmem_shared>>
        tpu.enqueue_indirect_dma source(%dma_start3A_269 : memref<128x128xf32, #tpu.memory_space<vmem>>) target(%dma_start3A_275 : memref<10240x128xf32, #tpu.memory_space<vmem_shared>>) offsets(%dma_start3A_272 : memref<128xi32, #tpu.memory_space<vmem>>) semaphore(%run_scoped3A : memref<!tpu.dma_semaphore, #tpu.memory_space<semaphore_mem>>) {add = true}
        %dma_wait3A_276 = arith.constant 0 : i32
        %dma_wait3A_277 = arith.constant 0 : i32
        %dma_wait3A_278 = tpu.memref_slice %arg8[%rem3A_190, %dma_wait3A_276, %dma_wait3A_277] : memref<2x128x128xf32, #tpu.memory_space<vmem>> -> memref<1x128x128xf32, #tpu.memory_space<vmem>>
        %dma_wait3A_279 = tpu.memref_squeeze %dma_wait3A_278 : memref<1x128x128xf32, #tpu.memory_space<vmem>> -> memref<128x128xf32, #tpu.memory_space<vmem>>
        %dma_wait3A_280 = arith.constant 0 : i32
        %dma_wait3A_281 = tpu.memref_slice %arg7[%rem3A_190, %dma_wait3A_280] : memref<2x128xi32, #tpu.memory_space<vmem>> -> memref<1x128xi32, #tpu.memory_space<vmem>>
        %dma_wait3A_282 = tpu.memref_squeeze %dma_wait3A_281 : memref<1x128xi32, #tpu.memory_space<vmem>> -> memref<128xi32, #tpu.memory_space<vmem>>
        %dma_wait3A_283 = arith.constant 0 : i32
        %dma_wait3A_284 = arith.constant 0 : i32
        %dma_wait3A_285 = tpu.memref_slice %arg9[%dma_wait3A_283, %dma_wait3A_284] : memref<10240x128xf32, #tpu.memory_space<vmem_shared>> -> memref<10240x128xf32, #tpu.memory_space<vmem_shared>>
        tpu.wait_indirect_dma semaphore(%run_scoped3A : memref<!tpu.dma_semaphore, #tpu.memory_space<semaphore_mem>>) src(%dma_wait3A_279 : memref<128x128xf32, #tpu.memory_space<vmem>>) dst(%dma_wait3A_285 : memref<10240x128xf32, #tpu.memory_space<vmem_shared>>)
        tpu.yield
      }) : () -> ()
      %add3A_262 = arith.constant 2 : i32
      %add3A_263 = arith.addi %scan3A_189, %add3A_262 : i32
      %lt3A = arith.constant 82 : i32
      %lt3A_264 = arith.cmpi slt, %add3A_263, %lt3A : i32
      %convert_element_type3A = arith.extui %lt3A_264 : i1 to i32
      %cond3A = arith.constant 0 : i32
      %cond3A_265 = arith.cmpi ne, %convert_element_type3A, %cond3A : i32
      scf.if %cond3A_265 {
        %add3A_266 = arith.constant 2 : i32
        %add3A_267 = arith.addi %scan3A_189, %add3A_266 : i32
        %dma_start3A_268 = arith.constant 0 : i32
        %dma_start3A_269 = arith.constant 0 : i32
        %dma_start3A_270 = tpu.memref_slice %arg8[%rem3A_190, %dma_start3A_268, %dma_start3A_269] : memref<2x128x128xf32, #tpu.memory_space<vmem>> -> memref<1x128x128xf32, #tpu.memory_space<vmem>>
        %dma_start3A_271 = tpu.memref_squeeze %dma_start3A_270 : memref<1x128x128xf32, #tpu.memory_space<vmem>> -> memref<128x128xf32, #tpu.memory_space<vmem>>
        %dma_start3A_272 = arith.constant 0 : i32
        %dma_start3A_273 = arith.constant 0 : i32
        %dma_start3A_274 = tpu.memref_slice %dma_start3A_271[%dma_start3A_272, %dma_start3A_273] : memref<128x128xf32, #tpu.memory_space<vmem>> -> memref<32x128xf32, #tpu.memory_space<vmem>>
        %dma_start3A_275 = arith.constant 0 : i32
        %dma_start3A_276 = tpu.memref_slice %arg6[%add3A_267, %dma_start3A_275] : memref<82x128xi32, #tpu.memory_space<vmem>> -> memref<1x128xi32, #tpu.memory_space<vmem>>
        %dma_start3A_277 = tpu.memref_squeeze %dma_start3A_276 : memref<1x128xi32, #tpu.memory_space<vmem>> -> memref<128xi32, #tpu.memory_space<vmem>>
        %dma_start3A_278 = arith.constant 0 : i32
        %dma_start3A_279 = tpu.memref_slice %dma_start3A_277[%dma_start3A_278] : memref<128xi32, #tpu.memory_space<vmem>> -> memref<32xi32, #tpu.memory_space<vmem>>
        %dma_start3A_280 = arith.constant 0 : i32
        %dma_start3A_281 = arith.constant 0 : i32
        %dma_start3A_282 = tpu.memref_slice %arg2[%dma_start3A_280, %dma_start3A_281] : memref<10000x128xf32, #tpu.memory_space<hbm>> -> memref<10000x128xf32, #tpu.memory_space<hbm>>
        tpu.enqueue_indirect_dma source(%dma_start3A_282 : memref<10000x128xf32, #tpu.memory_space<hbm>>) target(%dma_start3A_274 : memref<32x128xf32, #tpu.memory_space<vmem>>) offsets(%dma_start3A_279 : memref<32xi32, #tpu.memory_space<vmem>>) semaphore(%arg10 : memref<!tpu.dma_semaphore, #tpu.memory_space<semaphore_mem>>)
        %dma_start3A_283 = arith.constant 0 : i32
        %dma_start3A_284 = arith.constant 0 : i32
        %dma_start3A_285 = tpu.memref_slice %arg8[%rem3A_190, %dma_start3A_283, %dma_start3A_284] : memref<2x128x128xf32, #tpu.memory_space<vmem>> -> memref<1x128x128xf32, #tpu.memory_space<vmem>>
        %dma_start3A_286 = tpu.memref_squeeze %dma_start3A_285 : memref<1x128x128xf32, #tpu.memory_space<vmem>> -> memref<128x128xf32, #tpu.memory_space<vmem>>
        %dma_start3A_287 = arith.constant 32 : i32
        %dma_start3A_288 = arith.constant 0 : i32
        %dma_start3A_289 = tpu.memref_slice %dma_start3A_286[%dma_start3A_287, %dma_start3A_288] : memref<128x128xf32, #tpu.memory_space<vmem>> -> memref<32x128xf32, #tpu.memory_space<vmem>>
        %dma_start3A_290 = arith.constant 0 : i32
        %dma_start3A_291 = tpu.memref_slice %arg6[%add3A_267, %dma_start3A_290] : memref<82x128xi32, #tpu.memory_space<vmem>> -> memref<1x128xi32, #tpu.memory_space<vmem>>
        %dma_start3A_292 = tpu.memref_squeeze %dma_start3A_291 : memref<1x128xi32, #tpu.memory_space<vmem>> -> memref<128xi32, #tpu.memory_space<vmem>>
        %dma_start3A_293 = arith.constant 32 : i32
        %dma_start3A_294 = tpu.memref_slice %dma_start3A_292[%dma_start3A_293] : memref<128xi32, #tpu.memory_space<vmem>> -> memref<32xi32, #tpu.memory_space<vmem>>
        %dma_start3A_295 = arith.constant 0 : i32
        %dma_start3A_296 = arith.constant 0 : i32
        %dma_start3A_297 = tpu.memref_slice %arg2[%dma_start3A_295, %dma_start3A_296] : memref<10000x128xf32, #tpu.memory_space<hbm>> -> memref<10000x128xf32, #tpu.memory_space<hbm>>
        tpu.enqueue_indirect_dma source(%dma_start3A_297 : memref<10000x128xf32, #tpu.memory_space<hbm>>) target(%dma_start3A_289 : memref<32x128xf32, #tpu.memory_space<vmem>>) offsets(%dma_start3A_294 : memref<32xi32, #tpu.memory_space<vmem>>) semaphore(%arg10 : memref<!tpu.dma_semaphore, #tpu.memory_space<semaphore_mem>>)
        %dma_start3A_298 = arith.constant 0 : i32
        %dma_start3A_299 = arith.constant 0 : i32
        %dma_start3A_300 = tpu.memref_slice %arg8[%rem3A_190, %dma_start3A_298, %dma_start3A_299] : memref<2x128x128xf32, #tpu.memory_space<vmem>> -> memref<1x128x128xf32, #tpu.memory_space<vmem>>
        %dma_start3A_301 = tpu.memref_squeeze %dma_start3A_300 : memref<1x128x128xf32, #tpu.memory_space<vmem>> -> memref<128x128xf32, #tpu.memory_space<vmem>>
        %dma_start3A_302 = arith.constant 64 : i32
        %dma_start3A_303 = arith.constant 0 : i32
        %dma_start3A_304 = tpu.memref_slice %dma_start3A_301[%dma_start3A_302, %dma_start3A_303] : memref<128x128xf32, #tpu.memory_space<vmem>> -> memref<32x128xf32, #tpu.memory_space<vmem>>
        %dma_start3A_305 = arith.constant 0 : i32
        %dma_start3A_306 = tpu.memref_slice %arg6[%add3A_267, %dma_start3A_305] : memref<82x128xi32, #tpu.memory_space<vmem>> -> memref<1x128xi32, #tpu.memory_space<vmem>>
        %dma_start3A_307 = tpu.memref_squeeze %dma_start3A_306 : memref<1x128xi32, #tpu.memory_space<vmem>> -> memref<128xi32, #tpu.memory_space<vmem>>
        %dma_start3A_308 = arith.constant 64 : i32
        %dma_start3A_309 = tpu.memref_slice %dma_start3A_307[%dma_start3A_308] : memref<128xi32, #tpu.memory_space<vmem>> -> memref<32xi32, #tpu.memory_space<vmem>>
        %dma_start3A_310 = arith.constant 0 : i32
        %dma_start3A_311 = arith.constant 0 : i32
        %dma_start3A_312 = tpu.memref_slice %arg2[%dma_start3A_310, %dma_start3A_311] : memref<10000x128xf32, #tpu.memory_space<hbm>> -> memref<10000x128xf32, #tpu.memory_space<hbm>>
        tpu.enqueue_indirect_dma source(%dma_start3A_312 : memref<10000x128xf32, #tpu.memory_space<hbm>>) target(%dma_start3A_304 : memref<32x128xf32, #tpu.memory_space<vmem>>) offsets(%dma_start3A_309 : memref<32xi32, #tpu.memory_space<vmem>>) semaphore(%arg10 : memref<!tpu.dma_semaphore, #tpu.memory_space<semaphore_mem>>)
        %dma_start3A_313 = arith.constant 0 : i32
        %dma_start3A_314 = arith.constant 0 : i32
        %dma_start3A_315 = tpu.memref_slice %arg8[%rem3A_190, %dma_start3A_313, %dma_start3A_314] : memref<2x128x128xf32, #tpu.memory_space<vmem>> -> memref<1x128x128xf32, #tpu.memory_space<vmem>>
        %dma_start3A_316 = tpu.memref_squeeze %dma_start3A_315 : memref<1x128x128xf32, #tpu.memory_space<vmem>> -> memref<128x128xf32, #tpu.memory_space<vmem>>
        %dma_start3A_317 = arith.constant 96 : i32
        %dma_start3A_318 = arith.constant 0 : i32
        %dma_start3A_319 = tpu.memref_slice %dma_start3A_316[%dma_start3A_317, %dma_start3A_318] : memref<128x128xf32, #tpu.memory_space<vmem>> -> memref<32x128xf32, #tpu.memory_space<vmem>>
        %dma_start3A_320 = arith.constant 0 : i32
        %dma_start3A_321 = tpu.memref_slice %arg6[%add3A_267, %dma_start3A_320] : memref<82x128xi32, #tpu.memory_space<vmem>> -> memref<1x128xi32, #tpu.memory_space<vmem>>
        %dma_start3A_322 = tpu.memref_squeeze %dma_start3A_321 : memref<1x128xi32, #tpu.memory_space<vmem>> -> memref<128xi32, #tpu.memory_space<vmem>>
        %dma_start3A_323 = arith.constant 96 : i32
        %dma_start3A_324 = tpu.memref_slice %dma_start3A_322[%dma_start3A_323] : memref<128xi32, #tpu.memory_space<vmem>> -> memref<32xi32, #tpu.memory_space<vmem>>
        %dma_start3A_325 = arith.constant 0 : i32
        %dma_start3A_326 = arith.constant 0 : i32
        %dma_start3A_327 = tpu.memref_slice %arg2[%dma_start3A_325, %dma_start3A_326] : memref<10000x128xf32, #tpu.memory_space<hbm>> -> memref<10000x128xf32, #tpu.memory_space<hbm>>
        tpu.enqueue_indirect_dma source(%dma_start3A_327 : memref<10000x128xf32, #tpu.memory_space<hbm>>) target(%dma_start3A_319 : memref<32x128xf32, #tpu.memory_space<vmem>>) offsets(%dma_start3A_324 : memref<32xi32, #tpu.memory_space<vmem>>) semaphore(%arg10 : memref<!tpu.dma_semaphore, #tpu.memory_space<semaphore_mem>>)
        %dma_start3A_328 = arith.constant 0 : i32
        %dma_start3A_329 = tpu.memref_slice %arg7[%rem3A_190, %dma_start3A_328] : memref<2x128xi32, #tpu.memory_space<vmem>> -> memref<1x128xi32, #tpu.memory_space<vmem>>
        %dma_start3A_330 = tpu.memref_squeeze %dma_start3A_329 : memref<1x128xi32, #tpu.memory_space<vmem>> -> memref<128xi32, #tpu.memory_space<vmem>>
        %dma_start3A_331 = arith.constant 0 : i32
        %dma_start3A_332 = tpu.memref_slice %arg4[%add3A, %add3A_267, %dma_start3A_331] : memref<32x82x128xi32, #tpu.memory_space<hbm>> -> memref<1x1x128xi32, #tpu.memory_space<hbm>>
        %dma_start3A_333 = tpu.memref_squeeze %dma_start3A_332 : memref<1x1x128xi32, #tpu.memory_space<hbm>> -> memref<128xi32, #tpu.memory_space<hbm>>
        %dma_start3A_334 = arith.constant 0 : i32
        %dma_start3A_335 = tpu.memref_slice %arg7[%rem3A_190, %dma_start3A_334] : memref<2x128xi32, #tpu.memory_space<vmem>> -> memref<1x128xi32, #tpu.memory_space<vmem>>
        %dma_start3A_336 = tpu.memref_squeeze %dma_start3A_335 : memref<1x128xi32, #tpu.memory_space<vmem>> -> memref<128xi32, #tpu.memory_space<vmem>>
        %dma_start3A_337 = arith.constant 0 : i32
        %dma_start3A_338 = tpu.memref_slice %arg4[%add3A, %add3A_267, %dma_start3A_337] : memref<32x82x128xi32, #tpu.memory_space<hbm>> -> memref<1x1x128xi32, #tpu.memory_space<hbm>>
        %dma_start3A_339 = tpu.memref_squeeze %dma_start3A_338 : memref<1x1x128xi32, #tpu.memory_space<hbm>> -> memref<128xi32, #tpu.memory_space<hbm>>
        tpu.enqueue_dma source(%dma_start3A_339 : memref<128xi32, #tpu.memory_space<hbm>>) target(%dma_start3A_336 : memref<128xi32, #tpu.memory_space<vmem>>) target_semaphore(%arg11 : memref<!tpu.dma_semaphore, #tpu.memory_space<semaphore_mem>>)
      } else {
      }
    }
    %scan3A_183 = arith.constant 82 : i32
    %barrier3A_184 = arith.constant 0 : index
    tpu.barrier barrier_id(%barrier3A_184)
    %mul3A_185 = arith.constant 640 : i32
    %mul3A_186 = arith.muli %arg1, %mul3A_185 : i32
    %mul3A_187 = arith.constant 640 : i32
    %mul3A_188 = arith.muli %arg1, %mul3A_187 : i32
    "tpu.region"() ({
      %run_scoped3A = tpu.sem_alloc : memref<!tpu.dma_semaphore, #tpu.memory_space<semaphore_mem>>
      %dma_start3A_189 = arith.constant 0 : i32
      %dma_start3A_190 = tpu.memref_slice %arg5[%arg0, %mul3A_188, %dma_start3A_189] : memref<2x10240x128xf32, #tpu.memory_space<hbm>> -> memref<1x640x128xf32, #tpu.memory_space<hbm>>
      %dma_start3A_191 = tpu.memref_squeeze %dma_start3A_190 : memref<1x640x128xf32, #tpu.memory_space<hbm>> -> memref<640x128xf32, #tpu.memory_space<hbm>>
      %dma_start3A_192 = arith.constant 0 : i32
      %dma_start3A_193 = tpu.memref_slice %arg9[%mul3A_186, %dma_start3A_192] : memref<10240x128xf32, #tpu.memory_space<vmem_shared>> -> memref<640x128xf32, #tpu.memory_space<vmem_shared>>
      tpu.enqueue_dma source(%dma_start3A_193 : memref<640x128xf32, #tpu.memory_space<vmem_shared>>) target(%dma_start3A_191 : memref<640x128xf32, #tpu.memory_space<hbm>>) target_semaphore(%run_scoped3A : memref<!tpu.dma_semaphore, #tpu.memory_space<semaphore_mem>>)
      %dma_wait3A = arith.constant 0 : i32
      %dma_wait3A_194 = tpu.memref_slice %arg5[%arg0, %mul3A_188, %dma_wait3A] : memref<2x10240x128xf32, #tpu.memory_space<hbm>> -> memref<1x640x128xf32, #tpu.memory_space<hbm>>
      %dma_wait3A_195 = tpu.memref_squeeze %dma_wait3A_194 : memref<1x640x128xf32, #tpu.memory_space<hbm>> -> memref<640x128xf32, #tpu.memory_space<hbm>>
      %dma_wait3A_196 = arith.constant 0 : i32
      %dma_wait3A_197 = tpu.memref_slice %arg9[%mul3A_186, %dma_wait3A_196] : memref<10240x128xf32, #tpu.memory_space<vmem_shared>> -> memref<640x128xf32, #tpu.memory_space<vmem_shared>>
      tpu.wait_dma2 semaphore(%run_scoped3A : memref<!tpu.dma_semaphore, #tpu.memory_space<semaphore_mem>>) src(%dma_wait3A_197 : memref<640x128xf32, #tpu.memory_space<vmem_shared>>) dst(%dma_wait3A_195 : memref<640x128xf32, #tpu.memory_space<hbm>>)
      tpu.yield
    }) : () -> ()
    return
  }
}

#map = affine_map<(d0, d1) -> (0, 0, 0)>
module attributes {stable_mosaic.version = 14 : i64} {
  func.func @_deg_kernel(%arg0: i32, %arg1: i32, %arg2: memref<32x82x128xi32, #tpu.memory_space<hbm>>, %arg3: memref<2x10240x16xf32, #tpu.memory_space<hbm>>, %arg4: memref<82x128xi32, #tpu.memory_space<vmem>>, %arg5: memref<128x16xf32, #tpu.memory_space<vmem>>, %arg6: memref<16x16xf32, #tpu.memory_space<vmem>>, %arg7: memref<10240x16xf32, #tpu.memory_space<vmem_shared>>) attributes {dimension_semantics = [#tpu.dimension_semantics<core_parallel>, #tpu.dimension_semantics<subcore_parallel>], iteration_bounds = array<i64: 2, 16>, scalar_prefetch = 0 : i64, scratch_operands = 4 : i64, tpu.core_type = #tpu.core_type<sc_vector_subcore>, window_params = [{transform_indices = #map}, {transform_indices = #map}]} {
    %mul3A = arith.constant 16 : i32
    %mul3A_0 = arith.muli %arg0, %mul3A : i32
    %add3A = arith.addi %mul3A_0, %arg1 : i32
    "tpu.region"() ({
      %run_scoped3A = tpu.sem_alloc : memref<!tpu.dma_semaphore, #tpu.memory_space<semaphore_mem>>
      %dma_start3A = arith.constant 0 : i32
      %dma_start3A_32 = arith.constant 0 : i32
      %dma_start3A_33 = tpu.memref_slice %arg2[%add3A, %dma_start3A, %dma_start3A_32] : memref<32x82x128xi32, #tpu.memory_space<hbm>> -> memref<1x82x128xi32, #tpu.memory_space<hbm>>
      %dma_start3A_34 = tpu.memref_squeeze %dma_start3A_33 : memref<1x82x128xi32, #tpu.memory_space<hbm>> -> memref<82x128xi32, #tpu.memory_space<hbm>>
      %dma_start3A_35 = arith.constant 0 : i32
      %dma_start3A_36 = arith.constant 0 : i32
      %dma_start3A_37 = tpu.memref_slice %arg2[%add3A, %dma_start3A_35, %dma_start3A_36] : memref<32x82x128xi32, #tpu.memory_space<hbm>> -> memref<1x82x128xi32, #tpu.memory_space<hbm>>
      %dma_start3A_38 = tpu.memref_squeeze %dma_start3A_37 : memref<1x82x128xi32, #tpu.memory_space<hbm>> -> memref<82x128xi32, #tpu.memory_space<hbm>>
      tpu.enqueue_dma source(%dma_start3A_38 : memref<82x128xi32, #tpu.memory_space<hbm>>) target(%arg4 : memref<82x128xi32, #tpu.memory_space<vmem>>) target_semaphore(%run_scoped3A : memref<!tpu.dma_semaphore, #tpu.memory_space<semaphore_mem>>)
      %dma_wait3A = arith.constant 0 : i32
      %dma_wait3A_39 = arith.constant 0 : i32
      %dma_wait3A_40 = tpu.memref_slice %arg2[%add3A, %dma_wait3A, %dma_wait3A_39] : memref<32x82x128xi32, #tpu.memory_space<hbm>> -> memref<1x82x128xi32, #tpu.memory_space<hbm>>
      %dma_wait3A_41 = tpu.memref_squeeze %dma_wait3A_40 : memref<1x82x128xi32, #tpu.memory_space<hbm>> -> memref<82x128xi32, #tpu.memory_space<hbm>>
      %dma_wait3A_42 = arith.constant 0 : i32
      %dma_wait3A_43 = arith.constant 0 : i32
      %dma_wait3A_44 = tpu.memref_slice %arg2[%add3A, %dma_wait3A_42, %dma_wait3A_43] : memref<32x82x128xi32, #tpu.memory_space<hbm>> -> memref<1x82x128xi32, #tpu.memory_space<hbm>>
      %dma_wait3A_45 = tpu.memref_squeeze %dma_wait3A_44 : memref<1x82x128xi32, #tpu.memory_space<hbm>> -> memref<82x128xi32, #tpu.memory_space<hbm>>
      tpu.wait_dma2 semaphore(%run_scoped3A : memref<!tpu.dma_semaphore, #tpu.memory_space<semaphore_mem>>) src(%dma_wait3A_45 : memref<82x128xi32, #tpu.memory_space<hbm>>) dst(%arg4 : memref<82x128xi32, #tpu.memory_space<vmem>>)
      tpu.yield
    }) : () -> ()
    %broadcast_in_dim3A = arith.constant 1.000000e+00 : f32
    %broadcast_in_dim3A_1 = vector.broadcast %broadcast_in_dim3A : f32 to vector<16xf32>
    %scan3A = arith.constant 0 : i32
    %scan3A_2 = arith.constant 0 : i32
    %scan3A_3 = arith.constant 128 : i32
    %scan3A_4 = arith.addi %scan3A_2, %scan3A_3 : i32
    %scan3A_5 = arith.constant 1 : i32
    scf.for %scan3A_32 = %scan3A_2 to %scan3A_4 step %scan3A_5  : i32 {
      %swap3A = arith.index_cast %scan3A_32 : i32 to index
      %swap3A_33 = arith.constant 0 : index
      %swap3A_34 = tpu.vector_load %arg5[%swap3A, %swap3A_33] {strides = array<i32>} : memref<128x16xf32, #tpu.memory_space<vmem>>, vector<1x16xf32>,
      %swap3A_35 = vector.shape_cast %swap3A_34 : vector<1x16xf32> to vector<16xf32>
      %swap3A_36 = vector.shape_cast %broadcast_in_dim3A_1 : vector<16xf32> to vector<1x16xf32>
      tpu.vector_store %arg5[%swap3A, %swap3A_33], %swap3A_36 {strides = array<i32>} : memref<128x16xf32, #tpu.memory_space<vmem>>, vector<1x16xf32>,
    }
    %scan3A_6 = arith.constant 128 : i32
    %broadcast_in_dim3A_7 = arith.constant 0.000000e+00 : f32
    %broadcast_in_dim3A_8 = vector.broadcast %broadcast_in_dim3A_7 : f32 to vector<16xf32>
    %scan3A_9 = arith.constant 0 : i32
    %scan3A_10 = arith.constant 0 : i32
    %scan3A_11 = arith.constant 16 : i32
    %scan3A_12 = arith.addi %scan3A_10, %scan3A_11 : i32
    %scan3A_13 = arith.constant 1 : i32
    scf.for %scan3A_32 = %scan3A_10 to %scan3A_12 step %scan3A_13  : i32 {
      %jit3A = arith.constant 1 : i32
      %div3A = arith.divsi %scan3A_32, %jit3A : i32
      %sign3A = arith.constant 0 : i32
      %sign3A_33 = arith.cmpi sgt, %scan3A_32, %sign3A : i32
      %sign3A_34 = arith.extui %sign3A_33 : i1 to i32
      %sign3A_35 = arith.constant 0 : i32
      %sign3A_36 = arith.cmpi slt, %scan3A_32, %sign3A_35 : i32
      %sign3A_37 = arith.extui %sign3A_36 : i1 to i32
      %sign3A_38 = arith.subi %sign3A_34, %sign3A_37 : i32
      %sign3A_39 = arith.constant 0 : i32
      %sign3A_40 = arith.cmpi sgt, %jit3A, %sign3A_39 : i32
      %sign3A_41 = arith.extui %sign3A_40 : i1 to i32
      %sign3A_42 = arith.constant 0 : i32
      %sign3A_43 = arith.cmpi slt, %jit3A, %sign3A_42 : i32
      %sign3A_44 = arith.extui %sign3A_43 : i1 to i32
      %sign3A_45 = arith.subi %sign3A_41, %sign3A_44 : i32
      %ne3A = arith.cmpi ne, %sign3A_38, %sign3A_45 : i32
      %rem3A = arith.remsi %scan3A_32, %jit3A : i32
      %ne3A_46 = arith.constant 0 : i32
      %ne3A_47 = arith.cmpi ne, %rem3A, %ne3A_46 : i32
      %and3A = arith.andi %ne3A, %ne3A_47 : i1
      %sub3A = arith.constant 1 : i32
      %sub3A_48 = arith.subi %div3A, %sub3A : i32
      %select_n3A = arith.select %and3A, %sub3A_48, %div3A : i32
      %jit3A_49 = arith.constant 1 : i32
      %eq3A = arith.constant 0 : i32
      %eq3A_50 = arith.cmpi eq, %jit3A_49, %eq3A : i32
      %jit3A_51 = arith.constant 1 : i32
      %select_n3A_52 = arith.select %eq3A_50, %jit3A_51, %jit3A_49 : i32
      %rem3A_53 = arith.remsi %scan3A_32, %select_n3A_52 : i32
      %ne3A_54 = arith.constant 0 : i32
      %ne3A_55 = arith.cmpi ne, %rem3A_53, %ne3A_54 : i32
      %lt3A = arith.constant 0 : i32
      %lt3A_56 = arith.cmpi slt, %rem3A_53, %lt3A : i32
      %lt3A_57 = arith.constant 0 : i32
      %lt3A_58 = arith.cmpi slt, %select_n3A_52, %lt3A_57 : i32
      %ne3A_59 = arith.xori %lt3A_56, %lt3A_58 : i1
      %and3A_60 = arith.andi %ne3A_59, %ne3A_55 : i1
      %add3A_61 = arith.addi %rem3A_53, %select_n3A_52 : i32
      %select_n3A_62 = arith.select %and3A_60, %add3A_61, %rem3A_53 : i32
      %mul3A_63 = arith.constant 16 : i32
      %mul3A_64 = arith.muli %select_n3A_62, %mul3A_63 : i32
      %swap3A = arith.index_cast %select_n3A : i32 to index
      %swap3A_65 = arith.index_cast %mul3A_64 : i32 to index
      %swap3A_66 = tpu.vector_load %arg6[%swap3A, %swap3A_65] {strides = array<i32>} : memref<16x16xf32, #tpu.memory_space<vmem>>, vector<1x16xf32>,
      %swap3A_67 = vector.shape_cast %swap3A_66 : vector<1x16xf32> to vector<16xf32>
      %swap3A_68 = vector.shape_cast %broadcast_in_dim3A_8 : vector<16xf32> to vector<1x16xf32>
      tpu.vector_store %arg6[%swap3A, %swap3A_65], %swap3A_68 {strides = array<i32>} : memref<16x16xf32, #tpu.memory_space<vmem>>, vector<1x16xf32>,
    }
    %scan3A_14 = arith.constant 16 : i32
    %scan3A_15 = arith.constant 0 : i32
    %scan3A_16 = arith.constant 0 : i32
    %scan3A_17 = arith.constant 40 : i32
    %scan3A_18 = arith.addi %scan3A_16, %scan3A_17 : i32
    %scan3A_19 = arith.constant 1 : i32
    scf.for %scan3A_32 = %scan3A_16 to %scan3A_18 step %scan3A_19  : i32 {
      %mul3A_33 = arith.constant 640 : i32
      %mul3A_34 = arith.muli %arg1, %mul3A_33 : i32
      %mul3A_35 = arith.constant 16 : i32
      %mul3A_36 = arith.muli %scan3A_32, %mul3A_35 : i32
      %add3A_37 = arith.addi %mul3A_34, %mul3A_36 : i32
      "tpu.region"() ({
        %run_scoped3A = tpu.sem_alloc : memref<!tpu.dma_semaphore, #tpu.memory_space<semaphore_mem>>
        %dma_start3A = arith.constant 0 : i32
        %dma_start3A_38 = tpu.memref_slice %arg7[%add3A_37, %dma_start3A] : memref<10240x16xf32, #tpu.memory_space<vmem_shared>> -> memref<16x16xf32, #tpu.memory_space<vmem_shared>>
        %dma_start3A_39 = arith.constant 0 : i32
        %dma_start3A_40 = tpu.memref_slice %arg7[%add3A_37, %dma_start3A_39] : memref<10240x16xf32, #tpu.memory_space<vmem_shared>> -> memref<16x16xf32, #tpu.memory_space<vmem_shared>>
        tpu.enqueue_dma source(%arg6 : memref<16x16xf32, #tpu.memory_space<vmem>>) target(%dma_start3A_40 : memref<16x16xf32, #tpu.memory_space<vmem_shared>>) target_semaphore(%run_scoped3A : memref<!tpu.dma_semaphore, #tpu.memory_space<semaphore_mem>>)
        %dma_wait3A = arith.constant 0 : i32
        %dma_wait3A_41 = tpu.memref_slice %arg7[%add3A_37, %dma_wait3A] : memref<10240x16xf32, #tpu.memory_space<vmem_shared>> -> memref<16x16xf32, #tpu.memory_space<vmem_shared>>
        %dma_wait3A_42 = arith.constant 0 : i32
        %dma_wait3A_43 = tpu.memref_slice %arg7[%add3A_37, %dma_wait3A_42] : memref<10240x16xf32, #tpu.memory_space<vmem_shared>> -> memref<16x16xf32, #tpu.memory_space<vmem_shared>>
        tpu.wait_dma2 semaphore(%run_scoped3A : memref<!tpu.dma_semaphore, #tpu.memory_space<semaphore_mem>>) src(%arg6 : memref<16x16xf32, #tpu.memory_space<vmem>>) dst(%dma_wait3A_43 : memref<16x16xf32, #tpu.memory_space<vmem_shared>>)
        tpu.yield
      }) : () -> ()
    }
    %scan3A_20 = arith.constant 40 : i32
    %barrier3A = arith.constant 0 : index
    tpu.barrier barrier_id(%barrier3A)
    %scan3A_21 = arith.constant 0 : i32
    %scan3A_22 = arith.constant 0 : i32
    %scan3A_23 = arith.constant 82 : i32
    %scan3A_24 = arith.addi %scan3A_22, %scan3A_23 : i32
    %scan3A_25 = arith.constant 1 : i32
    scf.for %scan3A_32 = %scan3A_22 to %scan3A_24 step %scan3A_25  : i32 {
      "tpu.region"() ({
        %run_scoped3A = tpu.sem_alloc : memref<!tpu.dma_semaphore, #tpu.memory_space<semaphore_mem>>
        %dma_start3A = arith.constant 0 : i32
        %dma_start3A_33 = tpu.memref_slice %arg4[%scan3A_32, %dma_start3A] : memref<82x128xi32, #tpu.memory_space<vmem>> -> memref<1x128xi32, #tpu.memory_space<vmem>>
        %dma_start3A_34 = tpu.memref_squeeze %dma_start3A_33 : memref<1x128xi32, #tpu.memory_space<vmem>> -> memref<128xi32, #tpu.memory_space<vmem>>
        %dma_start3A_35 = arith.constant 0 : i32
        %dma_start3A_36 = arith.constant 0 : i32
        %dma_start3A_37 = tpu.memref_slice %arg7[%dma_start3A_35, %dma_start3A_36] : memref<10240x16xf32, #tpu.memory_space<vmem_shared>> -> memref<10240x16xf32, #tpu.memory_space<vmem_shared>>
        tpu.enqueue_indirect_dma source(%arg5 : memref<128x16xf32, #tpu.memory_space<vmem>>) target(%dma_start3A_37 : memref<10240x16xf32, #tpu.memory_space<vmem_shared>>) offsets(%dma_start3A_34 : memref<128xi32, #tpu.memory_space<vmem>>) semaphore(%run_scoped3A : memref<!tpu.dma_semaphore, #tpu.memory_space<semaphore_mem>>) {add = true}
        %dma_wait3A = arith.constant 0 : i32
        %dma_wait3A_38 = tpu.memref_slice %arg4[%scan3A_32, %dma_wait3A] : memref<82x128xi32, #tpu.memory_space<vmem>> -> memref<1x128xi32, #tpu.memory_space<vmem>>
        %dma_wait3A_39 = tpu.memref_squeeze %dma_wait3A_38 : memref<1x128xi32, #tpu.memory_space<vmem>> -> memref<128xi32, #tpu.memory_space<vmem>>
        %dma_wait3A_40 = arith.constant 0 : i32
        %dma_wait3A_41 = arith.constant 0 : i32
        %dma_wait3A_42 = tpu.memref_slice %arg7[%dma_wait3A_40, %dma_wait3A_41] : memref<10240x16xf32, #tpu.memory_space<vmem_shared>> -> memref<10240x16xf32, #tpu.memory_space<vmem_shared>>
        tpu.wait_indirect_dma semaphore(%run_scoped3A : memref<!tpu.dma_semaphore, #tpu.memory_space<semaphore_mem>>) src(%arg5 : memref<128x16xf32, #tpu.memory_space<vmem>>) dst(%dma_wait3A_42 : memref<10240x16xf32, #tpu.memory_space<vmem_shared>>)
        tpu.yield
      }) : () -> ()
    }
    %scan3A_26 = arith.constant 82 : i32
    %barrier3A_27 = arith.constant 0 : index
    tpu.barrier barrier_id(%barrier3A_27)
    %mul3A_28 = arith.constant 640 : i32
    %mul3A_29 = arith.muli %arg1, %mul3A_28 : i32
    %mul3A_30 = arith.constant 640 : i32
    %mul3A_31 = arith.muli %arg1, %mul3A_30 : i32
    "tpu.region"() ({
      %run_scoped3A = tpu.sem_alloc : memref<!tpu.dma_semaphore, #tpu.memory_space<semaphore_mem>>
      %dma_start3A = arith.constant 0 : i32
      %dma_start3A_32 = tpu.memref_slice %arg3[%arg0, %mul3A_31, %dma_start3A] : memref<2x10240x16xf32, #tpu.memory_space<hbm>> -> memref<1x640x16xf32, #tpu.memory_space<hbm>>
      %dma_start3A_33 = tpu.memref_squeeze %dma_start3A_32 : memref<1x640x16xf32, #tpu.memory_space<hbm>> -> memref<640x16xf32, #tpu.memory_space<hbm>>
      %dma_start3A_34 = arith.constant 0 : i32
      %dma_start3A_35 = tpu.memref_slice %arg7[%mul3A_29, %dma_start3A_34] : memref<10240x16xf32, #tpu.memory_space<vmem_shared>> -> memref<640x16xf32, #tpu.memory_space<vmem_shared>>
      tpu.enqueue_dma source(%dma_start3A_35 : memref<640x16xf32, #tpu.memory_space<vmem_shared>>) target(%dma_start3A_33 : memref<640x16xf32, #tpu.memory_space<hbm>>) target_semaphore(%run_scoped3A : memref<!tpu.dma_semaphore, #tpu.memory_space<semaphore_mem>>)
      %dma_wait3A = arith.constant 0 : i32
      %dma_wait3A_36 = tpu.memref_slice %arg3[%arg0, %mul3A_31, %dma_wait3A] : memref<2x10240x16xf32, #tpu.memory_space<hbm>> -> memref<1x640x16xf32, #tpu.memory_space<hbm>>
      %dma_wait3A_37 = tpu.memref_squeeze %dma_wait3A_36 : memref<1x640x16xf32, #tpu.memory_space<hbm>> -> memref<640x16xf32, #tpu.memory_space<hbm>>
      %dma_wait3A_38 = arith.constant 0 : i32
      %dma_wait3A_39 = tpu.memref_slice %arg7[%mul3A_29, %dma_wait3A_38] : memref<10240x16xf32, #tpu.memory_space<vmem_shared>> -> memref<640x16xf32, #tpu.memory_space<vmem_shared>>
      tpu.wait_dma2 semaphore(%run_scoped3A : memref<!tpu.dma_semaphore, #tpu.memory_space<semaphore_mem>>) src(%dma_wait3A_39 : memref<640x16xf32, #tpu.memory_space<vmem_shared>>) dst(%dma_wait3A_37 : memref<640x16xf32, #tpu.memory_space<hbm>>)
      tpu.yield
    }) : () -> ()
    return
  }
}

#map = affine_map<(d0, d1) -> (0, 0)>
#map1 = affine_map<(d0, d1) -> (0, 0, 0)>
module attributes {stable_mosaic.version = 14 : i64} {
  func.func @_agg_kernel(%arg0: i32, %arg1: i32, %arg2: memref<10000x128xf32, #tpu.memory_space<hbm>>, %arg3: memref<32x82x128xi32, #tpu.memory_space<hbm>>, %arg4: memref<32x82x128xi32, #tpu.memory_space<hbm>>, %arg5: memref<2x10240x128xf32, #tpu.memory_space<hbm>>, %arg6: memref<82x128xi32, #tpu.memory_space<vmem>>, %arg7: memref<2x128xi32, #tpu.memory_space<vmem>>, %arg8: memref<2x128x128xf32, #tpu.memory_space<vmem>>, %arg9: memref<10240x128xf32, #tpu.memory_space<vmem_shared>>, %arg10: memref<!tpu.dma_semaphore, #tpu.memory_space<semaphore_mem>>, %arg11: memref<!tpu.dma_semaphore, #tpu.memory_space<semaphore_mem>>) attributes {dimension_semantics = [#tpu.dimension_semantics<core_parallel>, #tpu.dimension_semantics<subcore_parallel>], iteration_bounds = array<i64: 2, 16>, scalar_prefetch = 0 : i64, scratch_operands = 6 : i64, tpu.core_type = #tpu.core_type<sc_vector_subcore>, window_params = [{transform_indices = #map}, {transform_indices = #map1}, {transform_indices = #map1}, {transform_indices = #map1}]} {
    %mul3A = arith.constant 16 : i32
    %mul3A_0 = arith.muli %arg0, %mul3A : i32
    %add3A = arith.addi %mul3A_0, %arg1 : i32
    "tpu.region"() ({
      %run_scoped3A = tpu.sem_alloc : memref<!tpu.dma_semaphore, #tpu.memory_space<semaphore_mem>>
      %dma_start3A_189 = arith.constant 0 : i32
      %dma_start3A_190 = arith.constant 0 : i32
      %dma_start3A_191 = tpu.memref_slice %arg3[%add3A, %dma_start3A_189, %dma_start3A_190] : memref<32x82x128xi32, #tpu.memory_space<hbm>> -> memref<1x82x128xi32, #tpu.memory_space<hbm>>
      %dma_start3A_192 = tpu.memref_squeeze %dma_start3A_191 : memref<1x82x128xi32, #tpu.memory_space<hbm>> -> memref<82x128xi32, #tpu.memory_space<hbm>>
      %dma_start3A_193 = arith.constant 0 : i32
      %dma_start3A_194 = arith.constant 0 : i32
      %dma_start3A_195 = tpu.memref_slice %arg3[%add3A, %dma_start3A_193, %dma_start3A_194] : memref<32x82x128xi32, #tpu.memory_space<hbm>> -> memref<1x82x128xi32, #tpu.memory_space<hbm>>
      %dma_start3A_196 = tpu.memref_squeeze %dma_start3A_195 : memref<1x82x128xi32, #tpu.memory_space<hbm>> -> memref<82x128xi32, #tpu.memory_space<hbm>>
      tpu.enqueue_dma source(%dma_start3A_196 : memref<82x128xi32, #tpu.memory_space<hbm>>) target(%arg6 : memref<82x128xi32, #tpu.memory_space<vmem>>) target_semaphore(%run_scoped3A : memref<!tpu.dma_semaphore, #tpu.memory_space<semaphore_mem>>)
      %dma_wait3A = arith.constant 0 : i32
      %dma_wait3A_197 = arith.constant 0 : i32
      %dma_wait3A_198 = tpu.memref_slice %arg3[%add3A, %dma_wait3A, %dma_wait3A_197] : memref<32x82x128xi32, #tpu.memory_space<hbm>> -> memref<1x82x128xi32, #tpu.memory_space<hbm>>
      %dma_wait3A_199 = tpu.memref_squeeze %dma_wait3A_198 : memref<1x82x128xi32, #tpu.memory_space<hbm>> -> memref<82x128xi32, #tpu.memory_space<hbm>>
      %dma_wait3A_200 = arith.constant 0 : i32
      %dma_wait3A_201 = arith.constant 0 : i32
      %dma_wait3A_202 = tpu.memref_slice %arg3[%add3A, %dma_wait3A_200, %dma_wait3A_201] : memref<32x82x128xi32, #tpu.memory_space<hbm>> -> memref<1x82x128xi32, #tpu.memory_space<hbm>>
      %dma_wait3A_203 = tpu.memref_squeeze %dma_wait3A_202 : memref<1x82x128xi32, #tpu.memory_space<hbm>> -> memref<82x128xi32, #tpu.memory_space<hbm>>
      tpu.wait_dma2 semaphore(%run_scoped3A : memref<!tpu.dma_semaphore, #tpu.memory_space<semaphore_mem>>) src(%dma_wait3A_203 : memref<82x128xi32, #tpu.memory_space<hbm>>) dst(%arg6 : memref<82x128xi32, #tpu.memory_space<vmem>>)
      tpu.yield
    }) : () -> ()
    %broadcast_in_dim3A = arith.constant 0.000000e+00 : f32
    %broadcast_in_dim3A_1 = vector.broadcast %broadcast_in_dim3A : f32 to vector<16xf32>
    %scan3A = arith.constant 0 : i32
    %scan3A_2 = arith.constant 0 : i32
    %scan3A_3 = arith.constant 0 : i32
    %scan3A_4 = arith.constant 128 : i32
    %scan3A_5 = arith.addi %scan3A_3, %scan3A_4 : i32
    %scan3A_6 = arith.constant 1 : i32
    scf.for %scan3A_189 = %scan3A_3 to %scan3A_5 step %scan3A_6  : i32 {
      %jit3A = arith.constant 8 : i32
      %div3A = arith.divsi %scan3A_189, %jit3A : i32
      %sign3A = arith.constant 0 : i32
      %sign3A_190 = arith.cmpi sgt, %scan3A_189, %sign3A : i32
      %sign3A_191 = arith.extui %sign3A_190 : i1 to i32
      %sign3A_192 = arith.constant 0 : i32
      %sign3A_193 = arith.cmpi slt, %scan3A_189, %sign3A_192 : i32
      %sign3A_194 = arith.extui %sign3A_193 : i1 to i32
      %sign3A_195 = arith.subi %sign3A_191, %sign3A_194 : i32
      %sign3A_196 = arith.constant 0 : i32
      %sign3A_197 = arith.cmpi sgt, %jit3A, %sign3A_196 : i32
      %sign3A_198 = arith.extui %sign3A_197 : i1 to i32
      %sign3A_199 = arith.constant 0 : i32
      %sign3A_200 = arith.cmpi slt, %jit3A, %sign3A_199 : i32
      %sign3A_201 = arith.extui %sign3A_200 : i1 to i32
      %sign3A_202 = arith.subi %sign3A_198, %sign3A_201 : i32
      %ne3A = arith.cmpi ne, %sign3A_195, %sign3A_202 : i32
      %rem3A = arith.remsi %scan3A_189, %jit3A : i32
      %ne3A_203 = arith.constant 0 : i32
      %ne3A_204 = arith.cmpi ne, %rem3A, %ne3A_203 : i32
      %and3A = arith.andi %ne3A, %ne3A_204 : i1
      %sub3A = arith.constant 1 : i32
      %sub3A_205 = arith.subi %div3A, %sub3A : i32
      %select_n3A = arith.select %and3A, %sub3A_205, %div3A : i32
      %jit3A_206 = arith.constant 8 : i32
      %eq3A = arith.constant 0 : i32
      %eq3A_207 = arith.cmpi eq, %jit3A_206, %eq3A : i32
      %jit3A_208 = arith.constant 1 : i32
      %select_n3A_209 = arith.select %eq3A_207, %jit3A_208, %jit3A_206 : i32
      %rem3A_210 = arith.remsi %scan3A_189, %select_n3A_209 : i32
      %ne3A_211 = arith.constant 0 : i32
      %ne3A_212 = arith.cmpi ne, %rem3A_210, %ne3A_211 : i32
      %lt3A = arith.constant 0 : i32
      %lt3A_213 = arith.cmpi slt, %rem3A_210, %lt3A : i32
      %lt3A_214 = arith.constant 0 : i32
      %lt3A_215 = arith.cmpi slt, %select_n3A_209, %lt3A_214 : i32
      %ne3A_216 = arith.xori %lt3A_213, %lt3A_215 : i1
      %and3A_217 = arith.andi %ne3A_216, %ne3A_212 : i1
      %add3A_218 = arith.addi %rem3A_210, %select_n3A_209 : i32
      %select_n3A_219 = arith.select %and3A_217, %add3A_218, %rem3A_210 : i32
      %mul3A_220 = arith.constant 16 : i32
      %mul3A_221 = arith.muli %select_n3A_219, %mul3A_220 : i32
      %swap3A = arith.constant 0 : i32
      %swap3A_222 = arith.constant 0 : i32
      %swap3A_223 = tpu.memref_slice %arg8[%scan3A_2, %swap3A, %swap3A_222] : memref<2x128x128xf32, #tpu.memory_space<vmem>> -> memref<1x128x128xf32, #tpu.memory_space<vmem>>
      %swap3A_224 = tpu.memref_squeeze %swap3A_223 : memref<1x128x128xf32, #tpu.memory_space<vmem>> -> memref<128x128xf32, #tpu.memory_space<vmem>>
      %swap3A_225 = arith.constant 0 : i32
      %swap3A_226 = arith.constant 0 : i32
      %swap3A_227 = tpu.memref_slice %swap3A_224[%swap3A_225, %swap3A_226] : memref<128x128xf32, #tpu.memory_space<vmem>> -> memref<16x128xf32, #tpu.memory_space<vmem>>
      %swap3A_228 = arith.index_cast %select_n3A : i32 to index
      %swap3A_229 = arith.index_cast %mul3A_221 : i32 to index
      %swap3A_230 = tpu.vector_load %swap3A_227[%swap3A_228, %swap3A_229] {strides = array<i32>} : memref<16x128xf32, #tpu.memory_space<vmem>>, vector<1x16xf32>,
      %swap3A_231 = vector.shape_cast %swap3A_230 : vector<1x16xf32> to vector<16xf32>
      %swap3A_232 = vector.shape_cast %broadcast_in_dim3A_1 : vector<16xf32> to vector<1x16xf32>
      tpu.vector_store %swap3A_227[%swap3A_228, %swap3A_229], %swap3A_232 {strides = array<i32>} : memref<16x128xf32, #tpu.memory_space<vmem>>, vector<1x16xf32>,
    }
    %scan3A_7 = arith.constant 128 : i32
    %scan3A_8 = arith.constant 0 : i32
    %scan3A_9 = arith.constant 0 : i32
    %scan3A_10 = arith.constant 0 : i32
    %scan3A_11 = arith.constant 40 : i32
    %scan3A_12 = arith.addi %scan3A_10, %scan3A_11 : i32
    %scan3A_13 = arith.constant 1 : i32
    scf.for %scan3A_189 = %scan3A_10 to %scan3A_12 step %scan3A_13  : i32 {
      %mul3A_190 = arith.constant 640 : i32
      %mul3A_191 = arith.muli %arg1, %mul3A_190 : i32
      %mul3A_192 = arith.constant 16 : i32
      %mul3A_193 = arith.muli %scan3A_189, %mul3A_192 : i32
      %add3A_194 = arith.addi %mul3A_191, %mul3A_193 : i32
      "tpu.region"() ({
        %run_scoped3A = tpu.sem_alloc : memref<!tpu.dma_semaphore, #tpu.memory_space<semaphore_mem>>
        %dma_start3A_195 = arith.constant 0 : i32
        %dma_start3A_196 = arith.constant 0 : i32
        %dma_start3A_197 = tpu.memref_slice %arg8[%scan3A_9, %dma_start3A_195, %dma_start3A_196] : memref<2x128x128xf32, #tpu.memory_space<vmem>> -> memref<1x128x128xf32, #tpu.memory_space<vmem>>
        %dma_start3A_198 = tpu.memref_squeeze %dma_start3A_197 : memref<1x128x128xf32, #tpu.memory_space<vmem>> -> memref<128x128xf32, #tpu.memory_space<vmem>>
        %dma_start3A_199 = arith.constant 0 : i32
        %dma_start3A_200 = arith.constant 0 : i32
        %dma_start3A_201 = tpu.memref_slice %dma_start3A_198[%dma_start3A_199, %dma_start3A_200] : memref<128x128xf32, #tpu.memory_space<vmem>> -> memref<16x128xf32, #tpu.memory_space<vmem>>
        %dma_start3A_202 = arith.constant 0 : i32
        %dma_start3A_203 = tpu.memref_slice %arg9[%add3A_194, %dma_start3A_202] : memref<10240x128xf32, #tpu.memory_space<vmem_shared>> -> memref<16x128xf32, #tpu.memory_space<vmem_shared>>
        %dma_start3A_204 = arith.constant 0 : i32
        %dma_start3A_205 = tpu.memref_slice %arg9[%add3A_194, %dma_start3A_204] : memref<10240x128xf32, #tpu.memory_space<vmem_shared>> -> memref<16x128xf32, #tpu.memory_space<vmem_shared>>
        %dma_start3A_206 = arith.constant 0 : i32
        %dma_start3A_207 = arith.constant 0 : i32
        %dma_start3A_208 = tpu.memref_slice %arg8[%scan3A_9, %dma_start3A_206, %dma_start3A_207] : memref<2x128x128xf32, #tpu.memory_space<vmem>> -> memref<1x128x128xf32, #tpu.memory_space<vmem>>
        %dma_start3A_209 = tpu.memref_squeeze %dma_start3A_208 : memref<1x128x128xf32, #tpu.memory_space<vmem>> -> memref<128x128xf32, #tpu.memory_space<vmem>>
        %dma_start3A_210 = arith.constant 0 : i32
        %dma_start3A_211 = arith.constant 0 : i32
        %dma_start3A_212 = tpu.memref_slice %dma_start3A_209[%dma_start3A_210, %dma_start3A_211] : memref<128x128xf32, #tpu.memory_space<vmem>> -> memref<16x128xf32, #tpu.memory_space<vmem>>
        tpu.enqueue_dma source(%dma_start3A_212 : memref<16x128xf32, #tpu.memory_space<vmem>>) target(%dma_start3A_205 : memref<16x128xf32, #tpu.memory_space<vmem_shared>>) target_semaphore(%run_scoped3A : memref<!tpu.dma_semaphore, #tpu.memory_space<semaphore_mem>>)
        %dma_wait3A = arith.constant 0 : i32
        %dma_wait3A_213 = arith.constant 0 : i32
        %dma_wait3A_214 = tpu.memref_slice %arg8[%scan3A_9, %dma_wait3A, %dma_wait3A_213] : memref<2x128x128xf32, #tpu.memory_space<vmem>> -> memref<1x128x128xf32, #tpu.memory_space<vmem>>
        %dma_wait3A_215 = tpu.memref_squeeze %dma_wait3A_214 : memref<1x128x128xf32, #tpu.memory_space<vmem>> -> memref<128x128xf32, #tpu.memory_space<vmem>>
        %dma_wait3A_216 = arith.constant 0 : i32
        %dma_wait3A_217 = arith.constant 0 : i32
        %dma_wait3A_218 = tpu.memref_slice %dma_wait3A_215[%dma_wait3A_216, %dma_wait3A_217] : memref<128x128xf32, #tpu.memory_space<vmem>> -> memref<16x128xf32, #tpu.memory_space<vmem>>
        %dma_wait3A_219 = arith.constant 0 : i32
        %dma_wait3A_220 = tpu.memref_slice %arg9[%add3A_194, %dma_wait3A_219] : memref<10240x128xf32, #tpu.memory_space<vmem_shared>> -> memref<16x128xf32, #tpu.memory_space<vmem_shared>>
        %dma_wait3A_221 = arith.constant 0 : i32
        %dma_wait3A_222 = tpu.memref_slice %arg9[%add3A_194, %dma_wait3A_221] : memref<10240x128xf32, #tpu.memory_space<vmem_shared>> -> memref<16x128xf32, #tpu.memory_space<vmem_shared>>
        %dma_wait3A_223 = arith.constant 0 : i32
        %dma_wait3A_224 = arith.constant 0 : i32
        %dma_wait3A_225 = tpu.memref_slice %arg8[%scan3A_9, %dma_wait3A_223, %dma_wait3A_224] : memref<2x128x128xf32, #tpu.memory_space<vmem>> -> memref<1x128x128xf32, #tpu.memory_space<vmem>>
        %dma_wait3A_226 = tpu.memref_squeeze %dma_wait3A_225 : memref<1x128x128xf32, #tpu.memory_space<vmem>> -> memref<128x128xf32, #tpu.memory_space<vmem>>
        %dma_wait3A_227 = arith.constant 0 : i32
        %dma_wait3A_228 = arith.constant 0 : i32
        %dma_wait3A_229 = tpu.memref_slice %dma_wait3A_226[%dma_wait3A_227, %dma_wait3A_228] : memref<128x128xf32, #tpu.memory_space<vmem>> -> memref<16x128xf32, #tpu.memory_space<vmem>>
        tpu.wait_dma2 semaphore(%run_scoped3A : memref<!tpu.dma_semaphore, #tpu.memory_space<semaphore_mem>>) src(%dma_wait3A_229 : memref<16x128xf32, #tpu.memory_space<vmem>>) dst(%dma_wait3A_222 : memref<16x128xf32, #tpu.memory_space<vmem_shared>>)
        tpu.yield
      }) : () -> ()
    }
    %scan3A_14 = arith.constant 40 : i32
    %barrier3A = arith.constant 0 : index
    tpu.barrier barrier_id(%barrier3A)
    %dma_start3A = arith.constant 0 : i32
    %dma_start3A_15 = arith.constant 0 : i32
    %dma_start3A_16 = arith.constant 0 : i32
    %dma_start3A_17 = arith.constant 0 : i32
    %dma_start3A_18 = tpu.memref_slice %arg8[%dma_start3A_15, %dma_start3A_16, %dma_start3A_17] : memref<2x128x128xf32, #tpu.memory_space<vmem>> -> memref<1x128x128xf32, #tpu.memory_space<vmem>>
    %dma_start3A_19 = tpu.memref_squeeze %dma_start3A_18 : memref<1x128x128xf32, #tpu.memory_space<vmem>> -> memref<128x128xf32, #tpu.memory_space<vmem>>
    %dma_start3A_20 = arith.constant 0 : i32
    %dma_start3A_21 = arith.constant 0 : i32
    %dma_start3A_22 = tpu.memref_slice %dma_start3A_19[%dma_start3A_20, %dma_start3A_21] : memref<128x128xf32, #tpu.memory_space<vmem>> -> memref<32x128xf32, #tpu.memory_space<vmem>>
    %dma_start3A_23 = arith.constant 0 : i32
    %dma_start3A_24 = tpu.memref_slice %arg6[%dma_start3A, %dma_start3A_23] : memref<82x128xi32, #tpu.memory_space<vmem>> -> memref<1x128xi32, #tpu.memory_space<vmem>>
    %dma_start3A_25 = tpu.memref_squeeze %dma_start3A_24 : memref<1x128xi32, #tpu.memory_space<vmem>> -> memref<128xi32, #tpu.memory_space<vmem>>
    %dma_start3A_26 = arith.constant 0 : i32
    %dma_start3A_27 = tpu.memref_slice %dma_start3A_25[%dma_start3A_26] : memref<128xi32, #tpu.memory_space<vmem>> -> memref<32xi32, #tpu.memory_space<vmem>>
    %dma_start3A_28 = arith.constant 0 : i32
    %dma_start3A_29 = arith.constant 0 : i32
    %dma_start3A_30 = tpu.memref_slice %arg2[%dma_start3A_28, %dma_start3A_29] : memref<10000x128xf32, #tpu.memory_space<hbm>> -> memref<10000x128xf32, #tpu.memory_space<hbm>>
    tpu.enqueue_indirect_dma source(%dma_start3A_30 : memref<10000x128xf32, #tpu.memory_space<hbm>>) target(%dma_start3A_22 : memref<32x128xf32, #tpu.memory_space<vmem>>) offsets(%dma_start3A_27 : memref<32xi32, #tpu.memory_space<vmem>>) semaphore(%arg10 : memref<!tpu.dma_semaphore, #tpu.memory_space<semaphore_mem>>)
    %dma_start3A_31 = arith.constant 0 : i32
    %dma_start3A_32 = arith.constant 0 : i32
    %dma_start3A_33 = arith.constant 0 : i32
    %dma_start3A_34 = arith.constant 0 : i32
    %dma_start3A_35 = tpu.memref_slice %arg8[%dma_start3A_32, %dma_start3A_33, %dma_start3A_34] : memref<2x128x128xf32, #tpu.memory_space<vmem>> -> memref<1x128x128xf32, #tpu.memory_space<vmem>>
    %dma_start3A_36 = tpu.memref_squeeze %dma_start3A_35 : memref<1x128x128xf32, #tpu.memory_space<vmem>> -> memref<128x128xf32, #tpu.memory_space<vmem>>
    %dma_start3A_37 = arith.constant 32 : i32
    %dma_start3A_38 = arith.constant 0 : i32
    %dma_start3A_39 = tpu.memref_slice %dma_start3A_36[%dma_start3A_37, %dma_start3A_38] : memref<128x128xf32, #tpu.memory_space<vmem>> -> memref<32x128xf32, #tpu.memory_space<vmem>>
    %dma_start3A_40 = arith.constant 0 : i32
    %dma_start3A_41 = tpu.memref_slice %arg6[%dma_start3A_31, %dma_start3A_40] : memref<82x128xi32, #tpu.memory_space<vmem>> -> memref<1x128xi32, #tpu.memory_space<vmem>>
    %dma_start3A_42 = tpu.memref_squeeze %dma_start3A_41 : memref<1x128xi32, #tpu.memory_space<vmem>> -> memref<128xi32, #tpu.memory_space<vmem>>
    %dma_start3A_43 = arith.constant 32 : i32
    %dma_start3A_44 = tpu.memref_slice %dma_start3A_42[%dma_start3A_43] : memref<128xi32, #tpu.memory_space<vmem>> -> memref<32xi32, #tpu.memory_space<vmem>>
    %dma_start3A_45 = arith.constant 0 : i32
    %dma_start3A_46 = arith.constant 0 : i32
    %dma_start3A_47 = tpu.memref_slice %arg2[%dma_start3A_45, %dma_start3A_46] : memref<10000x128xf32, #tpu.memory_space<hbm>> -> memref<10000x128xf32, #tpu.memory_space<hbm>>
    tpu.enqueue_indirect_dma source(%dma_start3A_47 : memref<10000x128xf32, #tpu.memory_space<hbm>>) target(%dma_start3A_39 : memref<32x128xf32, #tpu.memory_space<vmem>>) offsets(%dma_start3A_44 : memref<32xi32, #tpu.memory_space<vmem>>) semaphore(%arg10 : memref<!tpu.dma_semaphore, #tpu.memory_space<semaphore_mem>>)
    %dma_start3A_48 = arith.constant 0 : i32
    %dma_start3A_49 = arith.constant 0 : i32
    %dma_start3A_50 = arith.constant 0 : i32
    %dma_start3A_51 = arith.constant 0 : i32
    %dma_start3A_52 = tpu.memref_slice %arg8[%dma_start3A_49, %dma_start3A_50, %dma_start3A_51] : memref<2x128x128xf32, #tpu.memory_space<vmem>> -> memref<1x128x128xf32, #tpu.memory_space<vmem>>
    %dma_start3A_53 = tpu.memref_squeeze %dma_start3A_52 : memref<1x128x128xf32, #tpu.memory_space<vmem>> -> memref<128x128xf32, #tpu.memory_space<vmem>>
    %dma_start3A_54 = arith.constant 64 : i32
    %dma_start3A_55 = arith.constant 0 : i32
    %dma_start3A_56 = tpu.memref_slice %dma_start3A_53[%dma_start3A_54, %dma_start3A_55] : memref<128x128xf32, #tpu.memory_space<vmem>> -> memref<32x128xf32, #tpu.memory_space<vmem>>
    %dma_start3A_57 = arith.constant 0 : i32
    %dma_start3A_58 = tpu.memref_slice %arg6[%dma_start3A_48, %dma_start3A_57] : memref<82x128xi32, #tpu.memory_space<vmem>> -> memref<1x128xi32, #tpu.memory_space<vmem>>
    %dma_start3A_59 = tpu.memref_squeeze %dma_start3A_58 : memref<1x128xi32, #tpu.memory_space<vmem>> -> memref<128xi32, #tpu.memory_space<vmem>>
    %dma_start3A_60 = arith.constant 64 : i32
    %dma_start3A_61 = tpu.memref_slice %dma_start3A_59[%dma_start3A_60] : memref<128xi32, #tpu.memory_space<vmem>> -> memref<32xi32, #tpu.memory_space<vmem>>
    %dma_start3A_62 = arith.constant 0 : i32
    %dma_start3A_63 = arith.constant 0 : i32
    %dma_start3A_64 = tpu.memref_slice %arg2[%dma_start3A_62, %dma_start3A_63] : memref<10000x128xf32, #tpu.memory_space<hbm>> -> memref<10000x128xf32, #tpu.memory_space<hbm>>
    tpu.enqueue_indirect_dma source(%dma_start3A_64 : memref<10000x128xf32, #tpu.memory_space<hbm>>) target(%dma_start3A_56 : memref<32x128xf32, #tpu.memory_space<vmem>>) offsets(%dma_start3A_61 : memref<32xi32, #tpu.memory_space<vmem>>) semaphore(%arg10 : memref<!tpu.dma_semaphore, #tpu.memory_space<semaphore_mem>>)
    %dma_start3A_65 = arith.constant 0 : i32
    %dma_start3A_66 = arith.constant 0 : i32
    %dma_start3A_67 = arith.constant 0 : i32
    %dma_start3A_68 = arith.constant 0 : i32
    %dma_start3A_69 = tpu.memref_slice %arg8[%dma_start3A_66, %dma_start3A_67, %dma_start3A_68] : memref<2x128x128xf32, #tpu.memory_space<vmem>> -> memref<1x128x128xf32, #tpu.memory_space<vmem>>
    %dma_start3A_70 = tpu.memref_squeeze %dma_start3A_69 : memref<1x128x128xf32, #tpu.memory_space<vmem>> -> memref<128x128xf32, #tpu.memory_space<vmem>>
    %dma_start3A_71 = arith.constant 96 : i32
    %dma_start3A_72 = arith.constant 0 : i32
    %dma_start3A_73 = tpu.memref_slice %dma_start3A_70[%dma_start3A_71, %dma_start3A_72] : memref<128x128xf32, #tpu.memory_space<vmem>> -> memref<32x128xf32, #tpu.memory_space<vmem>>
    %dma_start3A_74 = arith.constant 0 : i32
    %dma_start3A_75 = tpu.memref_slice %arg6[%dma_start3A_65, %dma_start3A_74] : memref<82x128xi32, #tpu.memory_space<vmem>> -> memref<1x128xi32, #tpu.memory_space<vmem>>
    %dma_start3A_76 = tpu.memref_squeeze %dma_start3A_75 : memref<1x128xi32, #tpu.memory_space<vmem>> -> memref<128xi32, #tpu.memory_space<vmem>>
    %dma_start3A_77 = arith.constant 96 : i32
    %dma_start3A_78 = tpu.memref_slice %dma_start3A_76[%dma_start3A_77] : memref<128xi32, #tpu.memory_space<vmem>> -> memref<32xi32, #tpu.memory_space<vmem>>
    %dma_start3A_79 = arith.constant 0 : i32
    %dma_start3A_80 = arith.constant 0 : i32
    %dma_start3A_81 = tpu.memref_slice %arg2[%dma_start3A_79, %dma_start3A_80] : memref<10000x128xf32, #tpu.memory_space<hbm>> -> memref<10000x128xf32, #tpu.memory_space<hbm>>
    tpu.enqueue_indirect_dma source(%dma_start3A_81 : memref<10000x128xf32, #tpu.memory_space<hbm>>) target(%dma_start3A_73 : memref<32x128xf32, #tpu.memory_space<vmem>>) offsets(%dma_start3A_78 : memref<32xi32, #tpu.memory_space<vmem>>) semaphore(%arg10 : memref<!tpu.dma_semaphore, #tpu.memory_space<semaphore_mem>>)
    %dma_start3A_82 = arith.constant 0 : i32
    %dma_start3A_83 = arith.constant 0 : i32
    %dma_start3A_84 = arith.constant 0 : i32
    %dma_start3A_85 = tpu.memref_slice %arg7[%dma_start3A_83, %dma_start3A_84] : memref<2x128xi32, #tpu.memory_space<vmem>> -> memref<1x128xi32, #tpu.memory_space<vmem>>
    %dma_start3A_86 = tpu.memref_squeeze %dma_start3A_85 : memref<1x128xi32, #tpu.memory_space<vmem>> -> memref<128xi32, #tpu.memory_space<vmem>>
    %dma_start3A_87 = arith.constant 0 : i32
    %dma_start3A_88 = tpu.memref_slice %arg4[%add3A, %dma_start3A_82, %dma_start3A_87] : memref<32x82x128xi32, #tpu.memory_space<hbm>> -> memref<1x1x128xi32, #tpu.memory_space<hbm>>
    %dma_start3A_89 = tpu.memref_squeeze %dma_start3A_88 : memref<1x1x128xi32, #tpu.memory_space<hbm>> -> memref<128xi32, #tpu.memory_space<hbm>>
    %dma_start3A_90 = arith.constant 0 : i32
    %dma_start3A_91 = tpu.memref_slice %arg7[%dma_start3A_83, %dma_start3A_90] : memref<2x128xi32, #tpu.memory_space<vmem>> -> memref<1x128xi32, #tpu.memory_space<vmem>>
    %dma_start3A_92 = tpu.memref_squeeze %dma_start3A_91 : memref<1x128xi32, #tpu.memory_space<vmem>> -> memref<128xi32, #tpu.memory_space<vmem>>
    %dma_start3A_93 = arith.constant 0 : i32
    %dma_start3A_94 = tpu.memref_slice %arg4[%add3A, %dma_start3A_82, %dma_start3A_93] : memref<32x82x128xi32, #tpu.memory_space<hbm>> -> memref<1x1x128xi32, #tpu.memory_space<hbm>>
    %dma_start3A_95 = tpu.memref_squeeze %dma_start3A_94 : memref<1x1x128xi32, #tpu.memory_space<hbm>> -> memref<128xi32, #tpu.memory_space<hbm>>
    tpu.enqueue_dma source(%dma_start3A_95 : memref<128xi32, #tpu.memory_space<hbm>>) target(%dma_start3A_92 : memref<128xi32, #tpu.memory_space<vmem>>) target_semaphore(%arg11 : memref<!tpu.dma_semaphore, #tpu.memory_space<semaphore_mem>>)
    %dma_start3A_96 = arith.constant 1 : i32
    %dma_start3A_97 = arith.constant 1 : i32
    %dma_start3A_98 = arith.constant 0 : i32
    %dma_start3A_99 = arith.constant 0 : i32
    %dma_start3A_100 = tpu.memref_slice %arg8[%dma_start3A_97, %dma_start3A_98, %dma_start3A_99] : memref<2x128x128xf32, #tpu.memory_space<vmem>> -> memref<1x128x128xf32, #tpu.memory_space<vmem>>
    %dma_start3A_101 = tpu.memref_squeeze %dma_start3A_100 : memref<1x128x128xf32, #tpu.memory_space<vmem>> -> memref<128x128xf32, #tpu.memory_space<vmem>>
    %dma_start3A_102 = arith.constant 0 : i32
    %dma_start3A_103 = arith.constant 0 : i32
    %dma_start3A_104 = tpu.memref_slice %dma_start3A_101[%dma_start3A_102, %dma_start3A_103] : memref<128x128xf32, #tpu.memory_space<vmem>> -> memref<32x128xf32, #tpu.memory_space<vmem>>
    %dma_start3A_105 = arith.constant 0 : i32
    %dma_start3A_106 = tpu.memref_slice %arg6[%dma_start3A_96, %dma_start3A_105] : memref<82x128xi32, #tpu.memory_space<vmem>> -> memref<1x128xi32, #tpu.memory_space<vmem>>
    %dma_start3A_107 = tpu.memref_squeeze %dma_start3A_106 : memref<1x128xi32, #tpu.memory_space<vmem>> -> memref<128xi32, #tpu.memory_space<vmem>>
    %dma_start3A_108 = arith.constant 0 : i32
    %dma_start3A_109 = tpu.memref_slice %dma_start3A_107[%dma_start3A_108] : memref<128xi32, #tpu.memory_space<vmem>> -> memref<32xi32, #tpu.memory_space<vmem>>
    %dma_start3A_110 = arith.constant 0 : i32
    %dma_start3A_111 = arith.constant 0 : i32
    %dma_start3A_112 = tpu.memref_slice %arg2[%dma_start3A_110, %dma_start3A_111] : memref<10000x128xf32, #tpu.memory_space<hbm>> -> memref<10000x128xf32, #tpu.memory_space<hbm>>
    tpu.enqueue_indirect_dma source(%dma_start3A_112 : memref<10000x128xf32, #tpu.memory_space<hbm>>) target(%dma_start3A_104 : memref<32x128xf32, #tpu.memory_space<vmem>>) offsets(%dma_start3A_109 : memref<32xi32, #tpu.memory_space<vmem>>) semaphore(%arg10 : memref<!tpu.dma_semaphore, #tpu.memory_space<semaphore_mem>>)
    %dma_start3A_113 = arith.constant 1 : i32
    %dma_start3A_114 = arith.constant 1 : i32
    %dma_start3A_115 = arith.constant 0 : i32
    %dma_start3A_116 = arith.constant 0 : i32
    %dma_start3A_117 = tpu.memref_slice %arg8[%dma_start3A_114, %dma_start3A_115, %dma_start3A_116] : memref<2x128x128xf32, #tpu.memory_space<vmem>> -> memref<1x128x128xf32, #tpu.memory_space<vmem>>
    %dma_start3A_118 = tpu.memref_squeeze %dma_start3A_117 : memref<1x128x128xf32, #tpu.memory_space<vmem>> -> memref<128x128xf32, #tpu.memory_space<vmem>>
    %dma_start3A_119 = arith.constant 32 : i32
    %dma_start3A_120 = arith.constant 0 : i32
    %dma_start3A_121 = tpu.memref_slice %dma_start3A_118[%dma_start3A_119, %dma_start3A_120] : memref<128x128xf32, #tpu.memory_space<vmem>> -> memref<32x128xf32, #tpu.memory_space<vmem>>
    %dma_start3A_122 = arith.constant 0 : i32
    %dma_start3A_123 = tpu.memref_slice %arg6[%dma_start3A_113, %dma_start3A_122] : memref<82x128xi32, #tpu.memory_space<vmem>> -> memref<1x128xi32, #tpu.memory_space<vmem>>
    %dma_start3A_124 = tpu.memref_squeeze %dma_start3A_123 : memref<1x128xi32, #tpu.memory_space<vmem>> -> memref<128xi32, #tpu.memory_space<vmem>>
    %dma_start3A_125 = arith.constant 32 : i32
    %dma_start3A_126 = tpu.memref_slice %dma_start3A_124[%dma_start3A_125] : memref<128xi32, #tpu.memory_space<vmem>> -> memref<32xi32, #tpu.memory_space<vmem>>
    %dma_start3A_127 = arith.constant 0 : i32
    %dma_start3A_128 = arith.constant 0 : i32
    %dma_start3A_129 = tpu.memref_slice %arg2[%dma_start3A_127, %dma_start3A_128] : memref<10000x128xf32, #tpu.memory_space<hbm>> -> memref<10000x128xf32, #tpu.memory_space<hbm>>
    tpu.enqueue_indirect_dma source(%dma_start3A_129 : memref<10000x128xf32, #tpu.memory_space<hbm>>) target(%dma_start3A_121 : memref<32x128xf32, #tpu.memory_space<vmem>>) offsets(%dma_start3A_126 : memref<32xi32, #tpu.memory_space<vmem>>) semaphore(%arg10 : memref<!tpu.dma_semaphore, #tpu.memory_space<semaphore_mem>>)
    %dma_start3A_130 = arith.constant 1 : i32
    %dma_start3A_131 = arith.constant 1 : i32
    %dma_start3A_132 = arith.constant 0 : i32
    %dma_start3A_133 = arith.constant 0 : i32
    %dma_start3A_134 = tpu.memref_slice %arg8[%dma_start3A_131, %dma_start3A_132, %dma_start3A_133] : memref<2x128x128xf32, #tpu.memory_space<vmem>> -> memref<1x128x128xf32, #tpu.memory_space<vmem>>
    %dma_start3A_135 = tpu.memref_squeeze %dma_start3A_134 : memref<1x128x128xf32, #tpu.memory_space<vmem>> -> memref<128x128xf32, #tpu.memory_space<vmem>>
    %dma_start3A_136 = arith.constant 64 : i32
    %dma_start3A_137 = arith.constant 0 : i32
    %dma_start3A_138 = tpu.memref_slice %dma_start3A_135[%dma_start3A_136, %dma_start3A_137] : memref<128x128xf32, #tpu.memory_space<vmem>> -> memref<32x128xf32, #tpu.memory_space<vmem>>
    %dma_start3A_139 = arith.constant 0 : i32
    %dma_start3A_140 = tpu.memref_slice %arg6[%dma_start3A_130, %dma_start3A_139] : memref<82x128xi32, #tpu.memory_space<vmem>> -> memref<1x128xi32, #tpu.memory_space<vmem>>
    %dma_start3A_141 = tpu.memref_squeeze %dma_start3A_140 : memref<1x128xi32, #tpu.memory_space<vmem>> -> memref<128xi32, #tpu.memory_space<vmem>>
    %dma_start3A_142 = arith.constant 64 : i32
    %dma_start3A_143 = tpu.memref_slice %dma_start3A_141[%dma_start3A_142] : memref<128xi32, #tpu.memory_space<vmem>> -> memref<32xi32, #tpu.memory_space<vmem>>
    %dma_start3A_144 = arith.constant 0 : i32
    %dma_start3A_145 = arith.constant 0 : i32
    %dma_start3A_146 = tpu.memref_slice %arg2[%dma_start3A_144, %dma_start3A_145] : memref<10000x128xf32, #tpu.memory_space<hbm>> -> memref<10000x128xf32, #tpu.memory_space<hbm>>
    tpu.enqueue_indirect_dma source(%dma_start3A_146 : memref<10000x128xf32, #tpu.memory_space<hbm>>) target(%dma_start3A_138 : memref<32x128xf32, #tpu.memory_space<vmem>>) offsets(%dma_start3A_143 : memref<32xi32, #tpu.memory_space<vmem>>) semaphore(%arg10 : memref<!tpu.dma_semaphore, #tpu.memory_space<semaphore_mem>>)
    %dma_start3A_147 = arith.constant 1 : i32
    %dma_start3A_148 = arith.constant 1 : i32
    %dma_start3A_149 = arith.constant 0 : i32
    %dma_start3A_150 = arith.constant 0 : i32
    %dma_start3A_151 = tpu.memref_slice %arg8[%dma_start3A_148, %dma_start3A_149, %dma_start3A_150] : memref<2x128x128xf32, #tpu.memory_space<vmem>> -> memref<1x128x128xf32, #tpu.memory_space<vmem>>
    %dma_start3A_152 = tpu.memref_squeeze %dma_start3A_151 : memref<1x128x128xf32, #tpu.memory_space<vmem>> -> memref<128x128xf32, #tpu.memory_space<vmem>>
    %dma_start3A_153 = arith.constant 96 : i32
    %dma_start3A_154 = arith.constant 0 : i32
    %dma_start3A_155 = tpu.memref_slice %dma_start3A_152[%dma_start3A_153, %dma_start3A_154] : memref<128x128xf32, #tpu.memory_space<vmem>> -> memref<32x128xf32, #tpu.memory_space<vmem>>
    %dma_start3A_156 = arith.constant 0 : i32
    %dma_start3A_157 = tpu.memref_slice %arg6[%dma_start3A_147, %dma_start3A_156] : memref<82x128xi32, #tpu.memory_space<vmem>> -> memref<1x128xi32, #tpu.memory_space<vmem>>
    %dma_start3A_158 = tpu.memref_squeeze %dma_start3A_157 : memref<1x128xi32, #tpu.memory_space<vmem>> -> memref<128xi32, #tpu.memory_space<vmem>>
    %dma_start3A_159 = arith.constant 96 : i32
    %dma_start3A_160 = tpu.memref_slice %dma_start3A_158[%dma_start3A_159] : memref<128xi32, #tpu.memory_space<vmem>> -> memref<32xi32, #tpu.memory_space<vmem>>
    %dma_start3A_161 = arith.constant 0 : i32
    %dma_start3A_162 = arith.constant 0 : i32
    %dma_start3A_163 = tpu.memref_slice %arg2[%dma_start3A_161, %dma_start3A_162] : memref<10000x128xf32, #tpu.memory_space<hbm>> -> memref<10000x128xf32, #tpu.memory_space<hbm>>
    tpu.enqueue_indirect_dma source(%dma_start3A_163 : memref<10000x128xf32, #tpu.memory_space<hbm>>) target(%dma_start3A_155 : memref<32x128xf32, #tpu.memory_space<vmem>>) offsets(%dma_start3A_160 : memref<32xi32, #tpu.memory_space<vmem>>) semaphore(%arg10 : memref<!tpu.dma_semaphore, #tpu.memory_space<semaphore_mem>>)
    %dma_start3A_164 = arith.constant 1 : i32
    %dma_start3A_165 = arith.constant 1 : i32
    %dma_start3A_166 = arith.constant 0 : i32
    %dma_start3A_167 = tpu.memref_slice %arg7[%dma_start3A_165, %dma_start3A_166] : memref<2x128xi32, #tpu.memory_space<vmem>> -> memref<1x128xi32, #tpu.memory_space<vmem>>
    %dma_start3A_168 = tpu.memref_squeeze %dma_start3A_167 : memref<1x128xi32, #tpu.memory_space<vmem>> -> memref<128xi32, #tpu.memory_space<vmem>>
    %dma_start3A_169 = arith.constant 0 : i32
    %dma_start3A_170 = tpu.memref_slice %arg4[%add3A, %dma_start3A_164, %dma_start3A_169] : memref<32x82x128xi32, #tpu.memory_space<hbm>> -> memref<1x1x128xi32, #tpu.memory_space<hbm>>
    %dma_start3A_171 = tpu.memref_squeeze %dma_start3A_170 : memref<1x1x128xi32, #tpu.memory_space<hbm>> -> memref<128xi32, #tpu.memory_space<hbm>>
    %dma_start3A_172 = arith.constant 0 : i32
    %dma_start3A_173 = tpu.memref_slice %arg7[%dma_start3A_165, %dma_start3A_172] : memref<2x128xi32, #tpu.memory_space<vmem>> -> memref<1x128xi32, #tpu.memory_space<vmem>>
    %dma_start3A_174 = tpu.memref_squeeze %dma_start3A_173 : memref<1x128xi32, #tpu.memory_space<vmem>> -> memref<128xi32, #tpu.memory_space<vmem>>
    %dma_start3A_175 = arith.constant 0 : i32
    %dma_start3A_176 = tpu.memref_slice %arg4[%add3A, %dma_start3A_164, %dma_start3A_175] : memref<32x82x128xi32, #tpu.memory_space<hbm>> -> memref<1x1x128xi32, #tpu.memory_space<hbm>>
    %dma_start3A_177 = tpu.memref_squeeze %dma_start3A_176 : memref<1x1x128xi32, #tpu.memory_space<hbm>> -> memref<128xi32, #tpu.memory_space<hbm>>
    tpu.enqueue_dma source(%dma_start3A_177 : memref<128xi32, #tpu.memory_space<hbm>>) target(%dma_start3A_174 : memref<128xi32, #tpu.memory_space<vmem>>) target_semaphore(%arg11 : memref<!tpu.dma_semaphore, #tpu.memory_space<semaphore_mem>>)
    %scan3A_178 = arith.constant 0 : i32
    %scan3A_179 = arith.constant 0 : i32
    %scan3A_180 = arith.constant 82 : i32
    %scan3A_181 = arith.addi %scan3A_179, %scan3A_180 : i32
    %scan3A_182 = arith.constant 1 : i32
    scf.for %scan3A_189 = %scan3A_179 to %scan3A_181 step %scan3A_182  : i32 {
      %rem3A = arith.constant 2 : i32
      %rem3A_190 = arith.remsi %scan3A_189, %rem3A : i32
      %dma_wait3A = arith.constant 0 : i32
      %dma_wait3A_191 = arith.constant 0 : i32
      %dma_wait3A_192 = tpu.memref_slice %arg8[%rem3A_190, %dma_wait3A, %dma_wait3A_191] : memref<2x128x128xf32, #tpu.memory_space<vmem>> -> memref<1x128x128xf32, #tpu.memory_space<vmem>>
      %dma_wait3A_193 = tpu.memref_squeeze %dma_wait3A_192 : memref<1x128x128xf32, #tpu.memory_space<vmem>> -> memref<128x128xf32, #tpu.memory_space<vmem>>
      %dma_wait3A_194 = arith.constant 0 : i32
      %dma_wait3A_195 = arith.constant 0 : i32
      %dma_wait3A_196 = tpu.memref_slice %dma_wait3A_193[%dma_wait3A_194, %dma_wait3A_195] : memref<128x128xf32, #tpu.memory_space<vmem>> -> memref<32x128xf32, #tpu.memory_space<vmem>>
      %dma_wait3A_197 = arith.constant 0 : i32
      %dma_wait3A_198 = tpu.memref_slice %arg6[%scan3A_189, %dma_wait3A_197] : memref<82x128xi32, #tpu.memory_space<vmem>> -> memref<1x128xi32, #tpu.memory_space<vmem>>
      %dma_wait3A_199 = tpu.memref_squeeze %dma_wait3A_198 : memref<1x128xi32, #tpu.memory_space<vmem>> -> memref<128xi32, #tpu.memory_space<vmem>>
      %dma_wait3A_200 = arith.constant 0 : i32
      %dma_wait3A_201 = tpu.memref_slice %dma_wait3A_199[%dma_wait3A_200] : memref<128xi32, #tpu.memory_space<vmem>> -> memref<32xi32, #tpu.memory_space<vmem>>
      %dma_wait3A_202 = arith.constant 0 : i32
      %dma_wait3A_203 = arith.constant 0 : i32
      %dma_wait3A_204 = tpu.memref_slice %arg2[%dma_wait3A_202, %dma_wait3A_203] : memref<10000x128xf32, #tpu.memory_space<hbm>> -> memref<10000x128xf32, #tpu.memory_space<hbm>>
      tpu.wait_indirect_dma semaphore(%arg10 : memref<!tpu.dma_semaphore, #tpu.memory_space<semaphore_mem>>) src(%dma_wait3A_204 : memref<10000x128xf32, #tpu.memory_space<hbm>>) dst(%dma_wait3A_196 : memref<32x128xf32, #tpu.memory_space<vmem>>)
      %dma_wait3A_205 = arith.constant 0 : i32
      %dma_wait3A_206 = arith.constant 0 : i32
      %dma_wait3A_207 = tpu.memref_slice %arg8[%rem3A_190, %dma_wait3A_205, %dma_wait3A_206] : memref<2x128x128xf32, #tpu.memory_space<vmem>> -> memref<1x128x128xf32, #tpu.memory_space<vmem>>
      %dma_wait3A_208 = tpu.memref_squeeze %dma_wait3A_207 : memref<1x128x128xf32, #tpu.memory_space<vmem>> -> memref<128x128xf32, #tpu.memory_space<vmem>>
      %dma_wait3A_209 = arith.constant 32 : i32
      %dma_wait3A_210 = arith.constant 0 : i32
      %dma_wait3A_211 = tpu.memref_slice %dma_wait3A_208[%dma_wait3A_209, %dma_wait3A_210] : memref<128x128xf32, #tpu.memory_space<vmem>> -> memref<32x128xf32, #tpu.memory_space<vmem>>
      %dma_wait3A_212 = arith.constant 0 : i32
      %dma_wait3A_213 = tpu.memref_slice %arg6[%scan3A_189, %dma_wait3A_212] : memref<82x128xi32, #tpu.memory_space<vmem>> -> memref<1x128xi32, #tpu.memory_space<vmem>>
      %dma_wait3A_214 = tpu.memref_squeeze %dma_wait3A_213 : memref<1x128xi32, #tpu.memory_space<vmem>> -> memref<128xi32, #tpu.memory_space<vmem>>
      %dma_wait3A_215 = arith.constant 32 : i32
      %dma_wait3A_216 = tpu.memref_slice %dma_wait3A_214[%dma_wait3A_215] : memref<128xi32, #tpu.memory_space<vmem>> -> memref<32xi32, #tpu.memory_space<vmem>>
      %dma_wait3A_217 = arith.constant 0 : i32
      %dma_wait3A_218 = arith.constant 0 : i32
      %dma_wait3A_219 = tpu.memref_slice %arg2[%dma_wait3A_217, %dma_wait3A_218] : memref<10000x128xf32, #tpu.memory_space<hbm>> -> memref<10000x128xf32, #tpu.memory_space<hbm>>
      tpu.wait_indirect_dma semaphore(%arg10 : memref<!tpu.dma_semaphore, #tpu.memory_space<semaphore_mem>>) src(%dma_wait3A_219 : memref<10000x128xf32, #tpu.memory_space<hbm>>) dst(%dma_wait3A_211 : memref<32x128xf32, #tpu.memory_space<vmem>>)
      %dma_wait3A_220 = arith.constant 0 : i32
      %dma_wait3A_221 = arith.constant 0 : i32
      %dma_wait3A_222 = tpu.memref_slice %arg8[%rem3A_190, %dma_wait3A_220, %dma_wait3A_221] : memref<2x128x128xf32, #tpu.memory_space<vmem>> -> memref<1x128x128xf32, #tpu.memory_space<vmem>>
      %dma_wait3A_223 = tpu.memref_squeeze %dma_wait3A_222 : memref<1x128x128xf32, #tpu.memory_space<vmem>> -> memref<128x128xf32, #tpu.memory_space<vmem>>
      %dma_wait3A_224 = arith.constant 64 : i32
      %dma_wait3A_225 = arith.constant 0 : i32
      %dma_wait3A_226 = tpu.memref_slice %dma_wait3A_223[%dma_wait3A_224, %dma_wait3A_225] : memref<128x128xf32, #tpu.memory_space<vmem>> -> memref<32x128xf32, #tpu.memory_space<vmem>>
      %dma_wait3A_227 = arith.constant 0 : i32
      %dma_wait3A_228 = tpu.memref_slice %arg6[%scan3A_189, %dma_wait3A_227] : memref<82x128xi32, #tpu.memory_space<vmem>> -> memref<1x128xi32, #tpu.memory_space<vmem>>
      %dma_wait3A_229 = tpu.memref_squeeze %dma_wait3A_228 : memref<1x128xi32, #tpu.memory_space<vmem>> -> memref<128xi32, #tpu.memory_space<vmem>>
      %dma_wait3A_230 = arith.constant 64 : i32
      %dma_wait3A_231 = tpu.memref_slice %dma_wait3A_229[%dma_wait3A_230] : memref<128xi32, #tpu.memory_space<vmem>> -> memref<32xi32, #tpu.memory_space<vmem>>
      %dma_wait3A_232 = arith.constant 0 : i32
      %dma_wait3A_233 = arith.constant 0 : i32
      %dma_wait3A_234 = tpu.memref_slice %arg2[%dma_wait3A_232, %dma_wait3A_233] : memref<10000x128xf32, #tpu.memory_space<hbm>> -> memref<10000x128xf32, #tpu.memory_space<hbm>>
      tpu.wait_indirect_dma semaphore(%arg10 : memref<!tpu.dma_semaphore, #tpu.memory_space<semaphore_mem>>) src(%dma_wait3A_234 : memref<10000x128xf32, #tpu.memory_space<hbm>>) dst(%dma_wait3A_226 : memref<32x128xf32, #tpu.memory_space<vmem>>)
      %dma_wait3A_235 = arith.constant 0 : i32
      %dma_wait3A_236 = arith.constant 0 : i32
      %dma_wait3A_237 = tpu.memref_slice %arg8[%rem3A_190, %dma_wait3A_235, %dma_wait3A_236] : memref<2x128x128xf32, #tpu.memory_space<vmem>> -> memref<1x128x128xf32, #tpu.memory_space<vmem>>
      %dma_wait3A_238 = tpu.memref_squeeze %dma_wait3A_237 : memref<1x128x128xf32, #tpu.memory_space<vmem>> -> memref<128x128xf32, #tpu.memory_space<vmem>>
      %dma_wait3A_239 = arith.constant 96 : i32
      %dma_wait3A_240 = arith.constant 0 : i32
      %dma_wait3A_241 = tpu.memref_slice %dma_wait3A_238[%dma_wait3A_239, %dma_wait3A_240] : memref<128x128xf32, #tpu.memory_space<vmem>> -> memref<32x128xf32, #tpu.memory_space<vmem>>
      %dma_wait3A_242 = arith.constant 0 : i32
      %dma_wait3A_243 = tpu.memref_slice %arg6[%scan3A_189, %dma_wait3A_242] : memref<82x128xi32, #tpu.memory_space<vmem>> -> memref<1x128xi32, #tpu.memory_space<vmem>>
      %dma_wait3A_244 = tpu.memref_squeeze %dma_wait3A_243 : memref<1x128xi32, #tpu.memory_space<vmem>> -> memref<128xi32, #tpu.memory_space<vmem>>
      %dma_wait3A_245 = arith.constant 96 : i32
      %dma_wait3A_246 = tpu.memref_slice %dma_wait3A_244[%dma_wait3A_245] : memref<128xi32, #tpu.memory_space<vmem>> -> memref<32xi32, #tpu.memory_space<vmem>>
      %dma_wait3A_247 = arith.constant 0 : i32
      %dma_wait3A_248 = arith.constant 0 : i32
      %dma_wait3A_249 = tpu.memref_slice %arg2[%dma_wait3A_247, %dma_wait3A_248] : memref<10000x128xf32, #tpu.memory_space<hbm>> -> memref<10000x128xf32, #tpu.memory_space<hbm>>
      tpu.wait_indirect_dma semaphore(%arg10 : memref<!tpu.dma_semaphore, #tpu.memory_space<semaphore_mem>>) src(%dma_wait3A_249 : memref<10000x128xf32, #tpu.memory_space<hbm>>) dst(%dma_wait3A_241 : memref<32x128xf32, #tpu.memory_space<vmem>>)
      %dma_wait3A_250 = arith.constant 0 : i32
      %dma_wait3A_251 = tpu.memref_slice %arg7[%rem3A_190, %dma_wait3A_250] : memref<2x128xi32, #tpu.memory_space<vmem>> -> memref<1x128xi32, #tpu.memory_space<vmem>>
      %dma_wait3A_252 = tpu.memref_squeeze %dma_wait3A_251 : memref<1x128xi32, #tpu.memory_space<vmem>> -> memref<128xi32, #tpu.memory_space<vmem>>
      %dma_wait3A_253 = arith.constant 0 : i32
      %dma_wait3A_254 = tpu.memref_slice %arg4[%add3A, %scan3A_189, %dma_wait3A_253] : memref<32x82x128xi32, #tpu.memory_space<hbm>> -> memref<1x1x128xi32, #tpu.memory_space<hbm>>
      %dma_wait3A_255 = tpu.memref_squeeze %dma_wait3A_254 : memref<1x1x128xi32, #tpu.memory_space<hbm>> -> memref<128xi32, #tpu.memory_space<hbm>>
      %dma_wait3A_256 = arith.constant 0 : i32
      %dma_wait3A_257 = tpu.memref_slice %arg7[%rem3A_190, %dma_wait3A_256] : memref<2x128xi32, #tpu.memory_space<vmem>> -> memref<1x128xi32, #tpu.memory_space<vmem>>
      %dma_wait3A_258 = tpu.memref_squeeze %dma_wait3A_257 : memref<1x128xi32, #tpu.memory_space<vmem>> -> memref<128xi32, #tpu.memory_space<vmem>>
      %dma_wait3A_259 = arith.constant 0 : i32
      %dma_wait3A_260 = tpu.memref_slice %arg4[%add3A, %scan3A_189, %dma_wait3A_259] : memref<32x82x128xi32, #tpu.memory_space<hbm>> -> memref<1x1x128xi32, #tpu.memory_space<hbm>>
      %dma_wait3A_261 = tpu.memref_squeeze %dma_wait3A_260 : memref<1x1x128xi32, #tpu.memory_space<hbm>> -> memref<128xi32, #tpu.memory_space<hbm>>
      tpu.wait_dma2 semaphore(%arg11 : memref<!tpu.dma_semaphore, #tpu.memory_space<semaphore_mem>>) src(%dma_wait3A_261 : memref<128xi32, #tpu.memory_space<hbm>>) dst(%dma_wait3A_258 : memref<128xi32, #tpu.memory_space<vmem>>)
      "tpu.region"() ({
        %run_scoped3A = tpu.sem_alloc : memref<!tpu.dma_semaphore, #tpu.memory_space<semaphore_mem>>
        %dma_start3A_266 = arith.constant 0 : i32
        %dma_start3A_267 = arith.constant 0 : i32
        %dma_start3A_268 = tpu.memref_slice %arg8[%rem3A_190, %dma_start3A_266, %dma_start3A_267] : memref<2x128x128xf32, #tpu.memory_space<vmem>> -> memref<1x128x128xf32, #tpu.memory_space<vmem>>
        %dma_start3A_269 = tpu.memref_squeeze %dma_start3A_268 : memref<1x128x128xf32, #tpu.memory_space<vmem>> -> memref<128x128xf32, #tpu.memory_space<vmem>>
        %dma_start3A_270 = arith.constant 0 : i32
        %dma_start3A_271 = tpu.memref_slice %arg7[%rem3A_190, %dma_start3A_270] : memref<2x128xi32, #tpu.memory_space<vmem>> -> memref<1x128xi32, #tpu.memory_space<vmem>>
        %dma_start3A_272 = tpu.memref_squeeze %dma_start3A_271 : memref<1x128xi32, #tpu.memory_space<vmem>> -> memref<128xi32, #tpu.memory_space<vmem>>
        %dma_start3A_273 = arith.constant 0 : i32
        %dma_start3A_274 = arith.constant 0 : i32
        %dma_start3A_275 = tpu.memref_slice %arg9[%dma_start3A_273, %dma_start3A_274] : memref<10240x128xf32, #tpu.memory_space<vmem_shared>> -> memref<10240x128xf32, #tpu.memory_space<vmem_shared>>
        tpu.enqueue_indirect_dma source(%dma_start3A_269 : memref<128x128xf32, #tpu.memory_space<vmem>>) target(%dma_start3A_275 : memref<10240x128xf32, #tpu.memory_space<vmem_shared>>) offsets(%dma_start3A_272 : memref<128xi32, #tpu.memory_space<vmem>>) semaphore(%run_scoped3A : memref<!tpu.dma_semaphore, #tpu.memory_space<semaphore_mem>>) {add = true}
        %dma_wait3A_276 = arith.constant 0 : i32
        %dma_wait3A_277 = arith.constant 0 : i32
        %dma_wait3A_278 = tpu.memref_slice %arg8[%rem3A_190, %dma_wait3A_276, %dma_wait3A_277] : memref<2x128x128xf32, #tpu.memory_space<vmem>> -> memref<1x128x128xf32, #tpu.memory_space<vmem>>
        %dma_wait3A_279 = tpu.memref_squeeze %dma_wait3A_278 : memref<1x128x128xf32, #tpu.memory_space<vmem>> -> memref<128x128xf32, #tpu.memory_space<vmem>>
        %dma_wait3A_280 = arith.constant 0 : i32
        %dma_wait3A_281 = tpu.memref_slice %arg7[%rem3A_190, %dma_wait3A_280] : memref<2x128xi32, #tpu.memory_space<vmem>> -> memref<1x128xi32, #tpu.memory_space<vmem>>
        %dma_wait3A_282 = tpu.memref_squeeze %dma_wait3A_281 : memref<1x128xi32, #tpu.memory_space<vmem>> -> memref<128xi32, #tpu.memory_space<vmem>>
        %dma_wait3A_283 = arith.constant 0 : i32
        %dma_wait3A_284 = arith.constant 0 : i32
        %dma_wait3A_285 = tpu.memref_slice %arg9[%dma_wait3A_283, %dma_wait3A_284] : memref<10240x128xf32, #tpu.memory_space<vmem_shared>> -> memref<10240x128xf32, #tpu.memory_space<vmem_shared>>
        tpu.wait_indirect_dma semaphore(%run_scoped3A : memref<!tpu.dma_semaphore, #tpu.memory_space<semaphore_mem>>) src(%dma_wait3A_279 : memref<128x128xf32, #tpu.memory_space<vmem>>) dst(%dma_wait3A_285 : memref<10240x128xf32, #tpu.memory_space<vmem_shared>>)
        tpu.yield
      }) : () -> ()
      %add3A_262 = arith.constant 2 : i32
      %add3A_263 = arith.addi %scan3A_189, %add3A_262 : i32
      %lt3A = arith.constant 82 : i32
      %lt3A_264 = arith.cmpi slt, %add3A_263, %lt3A : i32
      %convert_element_type3A = arith.extui %lt3A_264 : i1 to i32
      %cond3A = arith.constant 0 : i32
      %cond3A_265 = arith.cmpi ne, %convert_element_type3A, %cond3A : i32
      scf.if %cond3A_265 {
        %add3A_266 = arith.constant 2 : i32
        %add3A_267 = arith.addi %scan3A_189, %add3A_266 : i32
        %dma_start3A_268 = arith.constant 0 : i32
        %dma_start3A_269 = arith.constant 0 : i32
        %dma_start3A_270 = tpu.memref_slice %arg8[%rem3A_190, %dma_start3A_268, %dma_start3A_269] : memref<2x128x128xf32, #tpu.memory_space<vmem>> -> memref<1x128x128xf32, #tpu.memory_space<vmem>>
        %dma_start3A_271 = tpu.memref_squeeze %dma_start3A_270 : memref<1x128x128xf32, #tpu.memory_space<vmem>> -> memref<128x128xf32, #tpu.memory_space<vmem>>
        %dma_start3A_272 = arith.constant 0 : i32
        %dma_start3A_273 = arith.constant 0 : i32
        %dma_start3A_274 = tpu.memref_slice %dma_start3A_271[%dma_start3A_272, %dma_start3A_273] : memref<128x128xf32, #tpu.memory_space<vmem>> -> memref<32x128xf32, #tpu.memory_space<vmem>>
        %dma_start3A_275 = arith.constant 0 : i32
        %dma_start3A_276 = tpu.memref_slice %arg6[%add3A_267, %dma_start3A_275] : memref<82x128xi32, #tpu.memory_space<vmem>> -> memref<1x128xi32, #tpu.memory_space<vmem>>
        %dma_start3A_277 = tpu.memref_squeeze %dma_start3A_276 : memref<1x128xi32, #tpu.memory_space<vmem>> -> memref<128xi32, #tpu.memory_space<vmem>>
        %dma_start3A_278 = arith.constant 0 : i32
        %dma_start3A_279 = tpu.memref_slice %dma_start3A_277[%dma_start3A_278] : memref<128xi32, #tpu.memory_space<vmem>> -> memref<32xi32, #tpu.memory_space<vmem>>
        %dma_start3A_280 = arith.constant 0 : i32
        %dma_start3A_281 = arith.constant 0 : i32
        %dma_start3A_282 = tpu.memref_slice %arg2[%dma_start3A_280, %dma_start3A_281] : memref<10000x128xf32, #tpu.memory_space<hbm>> -> memref<10000x128xf32, #tpu.memory_space<hbm>>
        tpu.enqueue_indirect_dma source(%dma_start3A_282 : memref<10000x128xf32, #tpu.memory_space<hbm>>) target(%dma_start3A_274 : memref<32x128xf32, #tpu.memory_space<vmem>>) offsets(%dma_start3A_279 : memref<32xi32, #tpu.memory_space<vmem>>) semaphore(%arg10 : memref<!tpu.dma_semaphore, #tpu.memory_space<semaphore_mem>>)
        %dma_start3A_283 = arith.constant 0 : i32
        %dma_start3A_284 = arith.constant 0 : i32
        %dma_start3A_285 = tpu.memref_slice %arg8[%rem3A_190, %dma_start3A_283, %dma_start3A_284] : memref<2x128x128xf32, #tpu.memory_space<vmem>> -> memref<1x128x128xf32, #tpu.memory_space<vmem>>
        %dma_start3A_286 = tpu.memref_squeeze %dma_start3A_285 : memref<1x128x128xf32, #tpu.memory_space<vmem>> -> memref<128x128xf32, #tpu.memory_space<vmem>>
        %dma_start3A_287 = arith.constant 32 : i32
        %dma_start3A_288 = arith.constant 0 : i32
        %dma_start3A_289 = tpu.memref_slice %dma_start3A_286[%dma_start3A_287, %dma_start3A_288] : memref<128x128xf32, #tpu.memory_space<vmem>> -> memref<32x128xf32, #tpu.memory_space<vmem>>
        %dma_start3A_290 = arith.constant 0 : i32
        %dma_start3A_291 = tpu.memref_slice %arg6[%add3A_267, %dma_start3A_290] : memref<82x128xi32, #tpu.memory_space<vmem>> -> memref<1x128xi32, #tpu.memory_space<vmem>>
        %dma_start3A_292 = tpu.memref_squeeze %dma_start3A_291 : memref<1x128xi32, #tpu.memory_space<vmem>> -> memref<128xi32, #tpu.memory_space<vmem>>
        %dma_start3A_293 = arith.constant 32 : i32
        %dma_start3A_294 = tpu.memref_slice %dma_start3A_292[%dma_start3A_293] : memref<128xi32, #tpu.memory_space<vmem>> -> memref<32xi32, #tpu.memory_space<vmem>>
        %dma_start3A_295 = arith.constant 0 : i32
        %dma_start3A_296 = arith.constant 0 : i32
        %dma_start3A_297 = tpu.memref_slice %arg2[%dma_start3A_295, %dma_start3A_296] : memref<10000x128xf32, #tpu.memory_space<hbm>> -> memref<10000x128xf32, #tpu.memory_space<hbm>>
        tpu.enqueue_indirect_dma source(%dma_start3A_297 : memref<10000x128xf32, #tpu.memory_space<hbm>>) target(%dma_start3A_289 : memref<32x128xf32, #tpu.memory_space<vmem>>) offsets(%dma_start3A_294 : memref<32xi32, #tpu.memory_space<vmem>>) semaphore(%arg10 : memref<!tpu.dma_semaphore, #tpu.memory_space<semaphore_mem>>)
        %dma_start3A_298 = arith.constant 0 : i32
        %dma_start3A_299 = arith.constant 0 : i32
        %dma_start3A_300 = tpu.memref_slice %arg8[%rem3A_190, %dma_start3A_298, %dma_start3A_299] : memref<2x128x128xf32, #tpu.memory_space<vmem>> -> memref<1x128x128xf32, #tpu.memory_space<vmem>>
        %dma_start3A_301 = tpu.memref_squeeze %dma_start3A_300 : memref<1x128x128xf32, #tpu.memory_space<vmem>> -> memref<128x128xf32, #tpu.memory_space<vmem>>
        %dma_start3A_302 = arith.constant 64 : i32
        %dma_start3A_303 = arith.constant 0 : i32
        %dma_start3A_304 = tpu.memref_slice %dma_start3A_301[%dma_start3A_302, %dma_start3A_303] : memref<128x128xf32, #tpu.memory_space<vmem>> -> memref<32x128xf32, #tpu.memory_space<vmem>>
        %dma_start3A_305 = arith.constant 0 : i32
        %dma_start3A_306 = tpu.memref_slice %arg6[%add3A_267, %dma_start3A_305] : memref<82x128xi32, #tpu.memory_space<vmem>> -> memref<1x128xi32, #tpu.memory_space<vmem>>
        %dma_start3A_307 = tpu.memref_squeeze %dma_start3A_306 : memref<1x128xi32, #tpu.memory_space<vmem>> -> memref<128xi32, #tpu.memory_space<vmem>>
        %dma_start3A_308 = arith.constant 64 : i32
        %dma_start3A_309 = tpu.memref_slice %dma_start3A_307[%dma_start3A_308] : memref<128xi32, #tpu.memory_space<vmem>> -> memref<32xi32, #tpu.memory_space<vmem>>
        %dma_start3A_310 = arith.constant 0 : i32
        %dma_start3A_311 = arith.constant 0 : i32
        %dma_start3A_312 = tpu.memref_slice %arg2[%dma_start3A_310, %dma_start3A_311] : memref<10000x128xf32, #tpu.memory_space<hbm>> -> memref<10000x128xf32, #tpu.memory_space<hbm>>
        tpu.enqueue_indirect_dma source(%dma_start3A_312 : memref<10000x128xf32, #tpu.memory_space<hbm>>) target(%dma_start3A_304 : memref<32x128xf32, #tpu.memory_space<vmem>>) offsets(%dma_start3A_309 : memref<32xi32, #tpu.memory_space<vmem>>) semaphore(%arg10 : memref<!tpu.dma_semaphore, #tpu.memory_space<semaphore_mem>>)
        %dma_start3A_313 = arith.constant 0 : i32
        %dma_start3A_314 = arith.constant 0 : i32
        %dma_start3A_315 = tpu.memref_slice %arg8[%rem3A_190, %dma_start3A_313, %dma_start3A_314] : memref<2x128x128xf32, #tpu.memory_space<vmem>> -> memref<1x128x128xf32, #tpu.memory_space<vmem>>
        %dma_start3A_316 = tpu.memref_squeeze %dma_start3A_315 : memref<1x128x128xf32, #tpu.memory_space<vmem>> -> memref<128x128xf32, #tpu.memory_space<vmem>>
        %dma_start3A_317 = arith.constant 96 : i32
        %dma_start3A_318 = arith.constant 0 : i32
        %dma_start3A_319 = tpu.memref_slice %dma_start3A_316[%dma_start3A_317, %dma_start3A_318] : memref<128x128xf32, #tpu.memory_space<vmem>> -> memref<32x128xf32, #tpu.memory_space<vmem>>
        %dma_start3A_320 = arith.constant 0 : i32
        %dma_start3A_321 = tpu.memref_slice %arg6[%add3A_267, %dma_start3A_320] : memref<82x128xi32, #tpu.memory_space<vmem>> -> memref<1x128xi32, #tpu.memory_space<vmem>>
        %dma_start3A_322 = tpu.memref_squeeze %dma_start3A_321 : memref<1x128xi32, #tpu.memory_space<vmem>> -> memref<128xi32, #tpu.memory_space<vmem>>
        %dma_start3A_323 = arith.constant 96 : i32
        %dma_start3A_324 = tpu.memref_slice %dma_start3A_322[%dma_start3A_323] : memref<128xi32, #tpu.memory_space<vmem>> -> memref<32xi32, #tpu.memory_space<vmem>>
        %dma_start3A_325 = arith.constant 0 : i32
        %dma_start3A_326 = arith.constant 0 : i32
        %dma_start3A_327 = tpu.memref_slice %arg2[%dma_start3A_325, %dma_start3A_326] : memref<10000x128xf32, #tpu.memory_space<hbm>> -> memref<10000x128xf32, #tpu.memory_space<hbm>>
        tpu.enqueue_indirect_dma source(%dma_start3A_327 : memref<10000x128xf32, #tpu.memory_space<hbm>>) target(%dma_start3A_319 : memref<32x128xf32, #tpu.memory_space<vmem>>) offsets(%dma_start3A_324 : memref<32xi32, #tpu.memory_space<vmem>>) semaphore(%arg10 : memref<!tpu.dma_semaphore, #tpu.memory_space<semaphore_mem>>)
        %dma_start3A_328 = arith.constant 0 : i32
        %dma_start3A_329 = tpu.memref_slice %arg7[%rem3A_190, %dma_start3A_328] : memref<2x128xi32, #tpu.memory_space<vmem>> -> memref<1x128xi32, #tpu.memory_space<vmem>>
        %dma_start3A_330 = tpu.memref_squeeze %dma_start3A_329 : memref<1x128xi32, #tpu.memory_space<vmem>> -> memref<128xi32, #tpu.memory_space<vmem>>
        %dma_start3A_331 = arith.constant 0 : i32
        %dma_start3A_332 = tpu.memref_slice %arg4[%add3A, %add3A_267, %dma_start3A_331] : memref<32x82x128xi32, #tpu.memory_space<hbm>> -> memref<1x1x128xi32, #tpu.memory_space<hbm>>
        %dma_start3A_333 = tpu.memref_squeeze %dma_start3A_332 : memref<1x1x128xi32, #tpu.memory_space<hbm>> -> memref<128xi32, #tpu.memory_space<hbm>>
        %dma_start3A_334 = arith.constant 0 : i32
        %dma_start3A_335 = tpu.memref_slice %arg7[%rem3A_190, %dma_start3A_334] : memref<2x128xi32, #tpu.memory_space<vmem>> -> memref<1x128xi32, #tpu.memory_space<vmem>>
        %dma_start3A_336 = tpu.memref_squeeze %dma_start3A_335 : memref<1x128xi32, #tpu.memory_space<vmem>> -> memref<128xi32, #tpu.memory_space<vmem>>
        %dma_start3A_337 = arith.constant 0 : i32
        %dma_start3A_338 = tpu.memref_slice %arg4[%add3A, %add3A_267, %dma_start3A_337] : memref<32x82x128xi32, #tpu.memory_space<hbm>> -> memref<1x1x128xi32, #tpu.memory_space<hbm>>
        %dma_start3A_339 = tpu.memref_squeeze %dma_start3A_338 : memref<1x1x128xi32, #tpu.memory_space<hbm>> -> memref<128xi32, #tpu.memory_space<hbm>>
        tpu.enqueue_dma source(%dma_start3A_339 : memref<128xi32, #tpu.memory_space<hbm>>) target(%dma_start3A_336 : memref<128xi32, #tpu.memory_space<vmem>>) target_semaphore(%arg11 : memref<!tpu.dma_semaphore, #tpu.memory_space<semaphore_mem>>)
      } else {
      }
    }
    %scan3A_183 = arith.constant 82 : i32
    %barrier3A_184 = arith.constant 0 : index
    tpu.barrier barrier_id(%barrier3A_184)
    %mul3A_185 = arith.constant 640 : i32
    %mul3A_186 = arith.muli %arg1, %mul3A_185 : i32
    %mul3A_187 = arith.constant 640 : i32
    %mul3A_188 = arith.muli %arg1, %mul3A_187 : i32
    "tpu.region"() ({
      %run_scoped3A = tpu.sem_alloc : memref<!tpu.dma_semaphore, #tpu.memory_space<semaphore_mem>>
      %dma_start3A_189 = arith.constant 0 : i32
      %dma_start3A_190 = tpu.memref_slice %arg5[%arg0, %mul3A_188, %dma_start3A_189] : memref<2x10240x128xf32, #tpu.memory_space<hbm>> -> memref<1x640x128xf32, #tpu.memory_space<hbm>>
      %dma_start3A_191 = tpu.memref_squeeze %dma_start3A_190 : memref<1x640x128xf32, #tpu.memory_space<hbm>> -> memref<640x128xf32, #tpu.memory_space<hbm>>
      %dma_start3A_192 = arith.constant 0 : i32
      %dma_start3A_193 = tpu.memref_slice %arg9[%mul3A_186, %dma_start3A_192] : memref<10240x128xf32, #tpu.memory_space<vmem_shared>> -> memref<640x128xf32, #tpu.memory_space<vmem_shared>>
      tpu.enqueue_dma source(%dma_start3A_193 : memref<640x128xf32, #tpu.memory_space<vmem_shared>>) target(%dma_start3A_191 : memref<640x128xf32, #tpu.memory_space<hbm>>) target_semaphore(%run_scoped3A : memref<!tpu.dma_semaphore, #tpu.memory_space<semaphore_mem>>)
      %dma_wait3A = arith.constant 0 : i32
      %dma_wait3A_194 = tpu.memref_slice %arg5[%arg0, %mul3A_188, %dma_wait3A] : memref<2x10240x128xf32, #tpu.memory_space<hbm>> -> memref<1x640x128xf32, #tpu.memory_space<hbm>>
      %dma_wait3A_195 = tpu.memref_squeeze %dma_wait3A_194 : memref<1x640x128xf32, #tpu.memory_space<hbm>> -> memref<640x128xf32, #tpu.memory_space<hbm>>
      %dma_wait3A_196 = arith.constant 0 : i32
      %dma_wait3A_197 = tpu.memref_slice %arg9[%mul3A_186, %dma_wait3A_196] : memref<10240x128xf32, #tpu.memory_space<vmem_shared>> -> memref<640x128xf32, #tpu.memory_space<vmem_shared>>
      tpu.wait_dma2 semaphore(%run_scoped3A : memref<!tpu.dma_semaphore, #tpu.memory_space<semaphore_mem>>) src(%dma_wait3A_197 : memref<640x128xf32, #tpu.memory_space<vmem_shared>>) dst(%dma_wait3A_195 : memref<640x128xf32, #tpu.memory_space<hbm>>)
      tpu.yield
    }) : () -> ()
    return
  }
}

module attributes {stable_mosaic.version = 14 : i64} {
  func.func @_tc1_body(%arg0: memref<10000x128xf32, #tpu.memory_space<vmem>>, %arg1: memref<128x128xf32, #tpu.memory_space<vmem>>, %arg2: memref<2x10240x16xf32, #tpu.memory_space<vmem>>, %arg3: memref<10000x128xf32, #tpu.memory_space<vmem>>) attributes {dimension_semantics = [], scalar_prefetch = 0 : i64, scratch_operands = 0 : i64, tpu.core_type = #tpu.core_type<tc>} {
    %get3A = arith.constant 0 : index
    %get3A_0 = arith.constant 0 : index
    %get3A_1 = arith.constant 0 : index
    %get3A_2 = vector.load %arg2[%get3A, %get3A_0, %get3A_1] : memref<2x10240x16xf32, #tpu.memory_space<vmem>>, vector<1x10000x1xf32>
    %get3A_3 = vector.shape_cast %get3A_2 : vector<1x10000x1xf32> to vector<10000x1xf32>
    %get3A_4 = arith.constant 1 : index
    %get3A_5 = arith.constant 0 : index
    %get3A_6 = arith.constant 0 : index
    %get3A_7 = vector.load %arg2[%get3A_4, %get3A_5, %get3A_6] : memref<2x10240x16xf32, #tpu.memory_space<vmem>>, vector<1x10000x1xf32>
    %get3A_8 = vector.shape_cast %get3A_7 : vector<1x10000x1xf32> to vector<10000x1xf32>
    %add3A = arith.addf %get3A_3, %get3A_8 : vector<10000x1xf32>
    %rsqrt3A = math.rsqrt %add3A : vector<10000x1xf32>
    %get3A_9 = arith.constant 0 : index
    %get3A_10 = arith.constant 0 : index
    %get3A_11 = vector.load %arg0[%get3A_9, %get3A_10] : memref<10000x128xf32, #tpu.memory_space<vmem>>, vector<10000x128xf32>
    %get3A_12 = arith.constant 0 : index
    %get3A_13 = arith.constant 0 : index
    %get3A_14 = vector.load %arg1[%get3A_12, %get3A_13] : memref<128x128xf32, #tpu.memory_space<vmem>>, vector<128x128xf32>
    %dot_general3A = arith.constant dense<0.000000e+00> : vector<10000x128xf32>
    %dot_general3A_15 = tpu.matmul %get3A_11, %get3A_14, %dot_general3A {dimension_numbers = #tpu.dot_dimension_numbers<[1], [1], [0], [0], [0, 0, 1, 0], [], []>, transpose_lhs_hint = false} : vector<10000x128xf32>, vector<128x128xf32>, vector<10000x128xf32> -> vector<10000x128xf32>
    %mul3A = vector.broadcast %rsqrt3A : vector<10000x1xf32> to vector<10000x128xf32>
    %mul3A_16 = arith.mulf %dot_general3A_15, %mul3A : vector<10000x128xf32>
    %swap3A = arith.constant 0 : index
    %swap3A_17 = arith.constant 0 : index
    %swap3A_18 = vector.load %arg3[%swap3A, %swap3A_17] : memref<10000x128xf32, #tpu.memory_space<vmem>>, vector<10000x128xf32>
    tpu.vector_store %arg3[%swap3A, %swap3A_17], %mul3A_16 {strides = array<i32>} : memref<10000x128xf32, #tpu.memory_space<vmem>>, vector<10000x128xf32>,
    return
  }
}

module attributes {stable_mosaic.version = 14 : i64} {
  func.func @_tc2_body(%arg0: memref<2x10240x128xf32, #tpu.memory_space<vmem>>, %arg1: memref<2x10240x16xf32, #tpu.memory_space<vmem>>, %arg2: memref<1x128xf32, #tpu.memory_space<vmem>>, %arg3: memref<128x128xf32, #tpu.memory_space<vmem>>, %arg4: memref<10000x128xf32, #tpu.memory_space<vmem>>) attributes {dimension_semantics = [], scalar_prefetch = 0 : i64, scratch_operands = 0 : i64, tpu.core_type = #tpu.core_type<tc>} {
    %get3A = arith.constant 0 : index
    %get3A_0 = arith.constant 0 : index
    %get3A_1 = arith.constant 0 : index
    %get3A_2 = vector.load %arg1[%get3A, %get3A_0, %get3A_1] : memref<2x10240x16xf32, #tpu.memory_space<vmem>>, vector<1x10000x1xf32>
    %get3A_3 = vector.shape_cast %get3A_2 : vector<1x10000x1xf32> to vector<10000x1xf32>
    %get3A_4 = arith.constant 1 : index
    %get3A_5 = arith.constant 0 : index
    %get3A_6 = arith.constant 0 : index
    %get3A_7 = vector.load %arg1[%get3A_4, %get3A_5, %get3A_6] : memref<2x10240x16xf32, #tpu.memory_space<vmem>>, vector<1x10000x1xf32>
    %get3A_8 = vector.shape_cast %get3A_7 : vector<1x10000x1xf32> to vector<10000x1xf32>
    %add3A = arith.addf %get3A_3, %get3A_8 : vector<10000x1xf32>
    %rsqrt3A = math.rsqrt %add3A : vector<10000x1xf32>
    %get3A_9 = arith.constant 0 : index
    %get3A_10 = arith.constant 0 : index
    %get3A_11 = arith.constant 0 : index
    %get3A_12 = vector.load %arg0[%get3A_9, %get3A_10, %get3A_11] : memref<2x10240x128xf32, #tpu.memory_space<vmem>>, vector<1x10000x128xf32>
    %get3A_13 = vector.shape_cast %get3A_12 : vector<1x10000x128xf32> to vector<10000x128xf32>
    %get3A_14 = arith.constant 1 : index
    %get3A_15 = arith.constant 0 : index
    %get3A_16 = arith.constant 0 : index
    %get3A_17 = vector.load %arg0[%get3A_14, %get3A_15, %get3A_16] : memref<2x10240x128xf32, #tpu.memory_space<vmem>>, vector<1x10000x128xf32>
    %get3A_18 = vector.shape_cast %get3A_17 : vector<1x10000x128xf32> to vector<10000x128xf32>
    %add3A_19 = arith.addf %get3A_13, %get3A_18 : vector<10000x128xf32>
    %mul3A = vector.broadcast %rsqrt3A : vector<10000x1xf32> to vector<10000x128xf32>
    %mul3A_20 = arith.mulf %add3A_19, %mul3A : vector<10000x128xf32>
    %get3A_21 = arith.constant 0 : index
    %get3A_22 = arith.constant 0 : index
    %get3A_23 = vector.load %arg2[%get3A_21, %get3A_22] : memref<1x128xf32, #tpu.memory_space<vmem>>, vector<1x128xf32>
    %add3A_24 = vector.broadcast %get3A_23 : vector<1x128xf32> to vector<10000x128xf32>
    %add3A_25 = arith.addf %mul3A_20, %add3A_24 : vector<10000x128xf32>
    %max3A = arith.constant 0.000000e+00 : f32
    %max3A_26 = vector.broadcast %max3A : f32 to vector<10000x128xf32>
    %max3A_27 = arith.maximumf %add3A_25, %max3A_26 : vector<10000x128xf32>
    %get3A_28 = arith.constant 0 : index
    %get3A_29 = arith.constant 0 : index
    %get3A_30 = vector.load %arg3[%get3A_28, %get3A_29] : memref<128x128xf32, #tpu.memory_space<vmem>>, vector<128x128xf32>
    %dot_general3A = arith.constant dense<0.000000e+00> : vector<10000x128xf32>
    %dot_general3A_31 = tpu.matmul %max3A_27, %get3A_30, %dot_general3A {dimension_numbers = #tpu.dot_dimension_numbers<[1], [1], [0], [0], [0, 0, 1, 0], [], []>, transpose_lhs_hint = false} : vector<10000x128xf32>, vector<128x128xf32>, vector<10000x128xf32> -> vector<10000x128xf32>
    %mul3A_32 = vector.broadcast %rsqrt3A : vector<10000x1xf32> to vector<10000x128xf32>
    %mul3A_33 = arith.mulf %dot_general3A_31, %mul3A_32 : vector<10000x128xf32>
    %swap3A = arith.constant 0 : index
    %swap3A_34 = arith.constant 0 : index
    %swap3A_35 = vector.load %arg4[%swap3A, %swap3A_34] : memref<10000x128xf32, #tpu.memory_space<vmem>>, vector<10000x128xf32>
    tpu.vector_store %arg4[%swap3A, %swap3A_34], %mul3A_33 {strides = array<i32>} : memref<10000x128xf32, #tpu.memory_space<vmem>>, vector<10000x128xf32>,
    return
  }
}

module attributes {stable_mosaic.version = 14 : i64} {
  func.func @_tc3_body(%arg0: memref<2x10240x128xf32, #tpu.memory_space<vmem>>, %arg1: memref<2x10240x16xf32, #tpu.memory_space<vmem>>, %arg2: memref<1x128xf32, #tpu.memory_space<vmem>>, %arg3: memref<10000x128xf32, #tpu.memory_space<vmem>>) attributes {dimension_semantics = [], scalar_prefetch = 0 : i64, scratch_operands = 0 : i64, tpu.core_type = #tpu.core_type<tc>} {
    %get3A = arith.constant 0 : index
    %get3A_0 = arith.constant 0 : index
    %get3A_1 = arith.constant 0 : index
    %get3A_2 = vector.load %arg1[%get3A, %get3A_0, %get3A_1] : memref<2x10240x16xf32, #tpu.memory_space<vmem>>, vector<1x10000x1xf32>
    %get3A_3 = vector.shape_cast %get3A_2 : vector<1x10000x1xf32> to vector<10000x1xf32>
    %get3A_4 = arith.constant 1 : index
    %get3A_5 = arith.constant 0 : index
    %get3A_6 = arith.constant 0 : index
    %get3A_7 = vector.load %arg1[%get3A_4, %get3A_5, %get3A_6] : memref<2x10240x16xf32, #tpu.memory_space<vmem>>, vector<1x10000x1xf32>
    %get3A_8 = vector.shape_cast %get3A_7 : vector<1x10000x1xf32> to vector<10000x1xf32>
    %add3A = arith.addf %get3A_3, %get3A_8 : vector<10000x1xf32>
    %rsqrt3A = math.rsqrt %add3A : vector<10000x1xf32>
    %get3A_9 = arith.constant 0 : index
    %get3A_10 = arith.constant 0 : index
    %get3A_11 = arith.constant 0 : index
    %get3A_12 = vector.load %arg0[%get3A_9, %get3A_10, %get3A_11] : memref<2x10240x128xf32, #tpu.memory_space<vmem>>, vector<1x10000x128xf32>
    %get3A_13 = vector.shape_cast %get3A_12 : vector<1x10000x128xf32> to vector<10000x128xf32>
    %get3A_14 = arith.constant 1 : index
    %get3A_15 = arith.constant 0 : index
    %get3A_16 = arith.constant 0 : index
    %get3A_17 = vector.load %arg0[%get3A_14, %get3A_15, %get3A_16] : memref<2x10240x128xf32, #tpu.memory_space<vmem>>, vector<1x10000x128xf32>
    %get3A_18 = vector.shape_cast %get3A_17 : vector<1x10000x128xf32> to vector<10000x128xf32>
    %add3A_19 = arith.addf %get3A_13, %get3A_18 : vector<10000x128xf32>
    %mul3A = vector.broadcast %rsqrt3A : vector<10000x1xf32> to vector<10000x128xf32>
    %mul3A_20 = arith.mulf %add3A_19, %mul3A : vector<10000x128xf32>
    %get3A_21 = arith.constant 0 : index
    %get3A_22 = arith.constant 0 : index
    %get3A_23 = vector.load %arg2[%get3A_21, %get3A_22] : memref<1x128xf32, #tpu.memory_space<vmem>>, vector<1x128xf32>
    %add3A_24 = vector.broadcast %get3A_23 : vector<1x128xf32> to vector<10000x128xf32>
    %add3A_25 = arith.addf %mul3A_20, %add3A_24 : vector<10000x128xf32>
    %swap3A = arith.constant 0 : index
    %swap3A_26 = arith.constant 0 : index
    %swap3A_27 = vector.load %arg3[%swap3A, %swap3A_26] : memref<10000x128xf32, #tpu.memory_space<vmem>>, vector<10000x128xf32>
    tpu.vector_store %arg3[%swap3A, %swap3A_26], %add3A_25 {strides = array<i32>} : memref<10000x128xf32, #tpu.memory_space<vmem>>, vector<10000x128xf32>,
    return
  }
}

</mosaic_0001>

<sc_bundles>
// kernel: kernel.11.cloned.1.call-start
scs
__scs_entry_jumppad:
0x0: {  	(pc) =	sbr.rel $0x88, $3  }
0x1: {  	(tag) =	ssettag $0x0;
	lr =	simm.s32 $0x1  }
0x2: {  	[smem:$0x3F9B] =	sst lr;
	_ =	strace $0xD0000000  }
0x3: {  	_ = 	snop  }
0x4: {  	_ = 	snop  }
0x5: {  	_ = 	snop  }
0x6: {  	_ = 	snop  }
0x7: {  	_ = 	snop  }
__scs_overlays_trampoline_lowered:
0x8: {  	[smem:$0x3FAA] =	sst s0  }
0x9: {  	[smem:$0x3FAB] =	sst s1  }
0xa: {  	[smem:$0x3FAC] =	sst s2  }
0xb: {  	[smem:$0x3FAD] =	sst s3  }
0xc: {  	[smem:$0x3FAE] =	sst s4  }
0xd: {  	[smem:$0x3FAF] =	sst s5  }
0xe: {  	[smem:$0x3FB0] =	sst s6  }
0xf: {  	[smem:$0x3FB1] =	sst s7  }
0x10: {  	[smem:$0x3FB2] =	sst s8  }
0x11: {  	[smem:$0x3FB3] =	sst s9;
	s0 =	simm.s32 @!p0 $0x0  }
0x12: {  	s1 =	sld [smem:$0x3F99];
	s0 =	simm.s32 @p0 $0x1  }
0x13: {  	[smem:$0x3FB4] =	sst s0;
	s0 =	simm.s32 @!p1 $0x0  }
0x14: {  	s2 =	sld [smem:$0x3F98];
	s0 =	simm.s32 @p1 $0x1  }
0x15: {  	[smem:$0x3FB5] =	sst s0;
	s0 =	simm.s32 @!p2 $0x0  }
0x16: {  	s3 =	sld [smem:$0x3FDB];
	s0 =	simm.s32 @p2 $0x1  }
0x17: {  	s4 =	simm.s32 $0x1BF5;
	[smem:$0x3FB7] =	sst s0  }
0x18: {  	s0 =	sld [smem:$0x3F9A];
	_ =	swait.ge [sflag:s4], $0x0  }
0x19: {  	s7 =	sld [smem:$0x3F9B]  }
0x1a: {  	s8 =	sadd.s32 $0xFFFFE003, lr  }
0x1b: {  	s9 =	sadd.s32 $0xFFFFFEF7, lr;
	s5 =	simm.s32 $0xFFFFFFFF;
	p2 =	slt.u32 s8, $0xFFFFF086  }
0x1c: {  	p1 =	slt.u32 s9, $0xF7A;
	s5 =	simm.s32 @!p2 $0x0  }
0x1d: {  	s5 =	simm.s32 @p1 $0x1;
	p0 =	seq.s32 s7, s2  }
0x1e: {  	s7 =	smul.u32 @!p0 $0xF7A, s2;
	p2 =	seq.s32 @!p0 s5, $0x0  }
0x1f: {  	s9 =	smul.u32 $0xF7A, s1;
	s8 =	simm.s32 @!p0 $0x1BF5;
	p2 =	por !p2, p0  }
0x20: {  	[sflag:s8] =	ssyncset.s32 @!p0 $0xFFFFF086;
	s6 =	sadd.s32 @!p0 s3, s7;
	s7 =	simm.s32 @!p0 $0x108  }
0x21: {  	s3 =	sadd.s32 s3, s9;
	s6 =	sadd.s32 @!p0 $0x88, s6;
	s7 =	simm.s32 @p2 $0x1082  }
0x22: {  	[simem:s7], [sflag:s8] =	dma.local @!p0 [hbm:s6], $0xF7A  }
0x23: {  	s9 =	sor.u32 $0xD0000000, s2;
	s6 =	simm.s32 $0x108;
	_ =	swait.ge @!p0 [sflag:s8], $0x0  }
0x24: {  	s3 =	sadd.s32 $0x88, s3;
	s6 =	simm.s32 @!p1 $0x1082;
	[sflag:s4] =	ssyncset.s32 $0xFFFFF086  }
0x25: {  	[simem:s6], [sflag:s4] =	dma.local [hbm:s3], $0xF7A  }
0x26: {  	[smem:$0x3F9B] =	sst s1;
	(tag) =	ssettag s2;
	_ =	strace s9  }
0x27: {  	s1 =	sld [smem:$0x3FAB]  }
0x28: {  	s2 =	sld [smem:$0x3FAC]  }
0x29: {  	s4 =	sld [smem:$0x3FAE]  }
0x2a: {  	p0 =	seq.s32 s5, $0x0;
	s5 =	sld [smem:$0x3FAF]  }
0x2b: {  	s6 =	sld [smem:$0x3FB0]  }
0x2c: {  	s7 =	sld [smem:$0x3FB1]  }
0x2d: {  	s3 =	simm.s32 $0x108;
	s8 =	sld [smem:$0x3FB2]  }
0x2e: {  	s3 =	simm.s32 @!p0 $0x1082;
	s9 =	sld [smem:$0x3FB3]  }
0x2f: {  	lr =	sadd.s32 s0, s3;
	s0 =	sld [smem:$0x3FAA]  }
0x30: {  	s3 =	sld [smem:$0x3FAD]  }
0x31: {  	[smem:$0x3FB6] =	sst s10  }
0x32: {  	s10 =	sld [smem:$0x3FB4];
	_ =	sdelay $0x3  }
0x33: {  	p0 =	seq.s32 s10, $0x1;
	s10 =	sld [smem:$0x3FB6];
	_ =	sdelay $0x3  }
0x34: {  	[smem:$0x3FB6] =	sst s10  }
0x35: {  	s10 =	sld [smem:$0x3FB5];
	_ =	sdelay $0x3  }
0x36: {  	p1 =	seq.s32 s10, $0x1;
	s10 =	sld [smem:$0x3FB6];
	_ =	sdelay $0x3  }
0x37: {  	[smem:$0x3FB6] =	sst s10  }
0x38: {  	s10 =	sld [smem:$0x3FB7]  }
0x39: {  	_ = 	snop;
	(pc) =	sbr.ind lr, $3  }
0x3a: {  	_ = 	snop  }
0x3b: {  	_ = 	snop  }
0x3c: {  	p2 =	seq.s32 s10, $0x1;
	s10 =	sld [smem:$0x3FB6]  }
0x3d: {  	_ =	shalt  }
0x3e: {  	_ =	shalt  }
0x3f: {  	_ =	shalt  }
0x40: {  	_ =	shalt  }
0x41: {  	_ =	shalt  }
0x42: {  	_ =	shalt  }
0x43: {  	_ =	shalt  }
0x44: {  	_ =	shalt  }
0x45: {  	_ =	shalt  }
0x46: {  	_ =	shalt  }
0x47: {  	_ =	shalt  }
0x48: {  	_ =	shalt  }
0x49: {  	_ =	shalt  }
0x4a: {  	_ =	shalt  }
0x4b: {  	_ =	shalt  }
0x4c: {  	_ =	shalt  }
0x4d: {  	_ =	shalt  }
0x4e: {  	_ =	shalt  }
0x4f: {  	_ =	shalt  }
0x50: {  	_ =	shalt  }
0x51: {  	_ =	shalt  }
0x52: {  	_ =	shalt  }
0x53: {  	_ =	shalt  }
0x54: {  	_ =	shalt  }
0x55: {  	_ =	shalt  }
0x56: {  	_ =	shalt  }
0x57: {  	_ =	shalt  }
0x58: {  	_ =	shalt  }
0x59: {  	_ =	shalt  }
0x5a: {  	_ =	shalt  }
0x5b: {  	_ =	shalt  }
0x5c: {  	_ =	shalt  }
0x5d: {  	_ =	shalt  }
0x5e: {  	_ =	shalt  }
0x5f: {  	_ =	shalt  }
0x60: {  	_ =	shalt  }
0x61: {  	_ =	shalt  }
0x62: {  	_ =	shalt  }
0x63: {  	_ =	shalt  }
0x64: {  	_ =	shalt  }
0x65: {  	_ =	shalt  }
0x66: {  	_ =	shalt  }
0x67: {  	_ =	shalt  }
0x68: {  	_ =	shalt  }
0x69: {  	_ =	shalt  }
0x6a: {  	_ =	shalt  }
0x6b: {  	_ =	shalt  }
0x6c: {  	_ =	shalt  }
0x6d: {  	_ =	shalt  }
0x6e: {  	_ =	shalt  }
0x6f: {  	_ =	shalt  }
0x70: {  	_ =	shalt  }
0x71: {  	_ =	shalt  }
0x72: {  	_ =	shalt  }
0x73: {  	_ =	shalt  }
0x74: {  	_ =	shalt  }
0x75: {  	_ =	shalt  }
0x76: {  	_ =	shalt  }
0x77: {  	_ =	shalt  }
0x78: {  	_ =	shalt  }
0x79: {  	_ =	shalt  }
0x7a: {  	_ =	shalt  }
0x7b: {  	_ =	shalt  }
0x7c: {  	_ =	shalt  }
0x7d: {  	_ =	shalt  }
0x7e: {  	_ =	shalt  }
0x7f: {  	_ =	shalt  }
0x80: {  	_ =	shalt  }
0x81: {  	_ =	shalt  }
0x82: {  	_ =	shalt  }
0x83: {  	_ =	shalt  }
0x84: {  	_ =	shalt  }
0x85: {  	_ =	shalt  }
0x86: {  	_ =	shalt  }
0x87: {  	_ =	shalt  }
.Lfunc_end0:
.L_simem_size_0:
called_computation.1_lowered:
.L_overlay_start_0:
0x88: {  	s2 =	sld [smem:$0x3FD9]  }
0x89: {  	s3 =	sld [smem:$0x3FFE];
	_ =	sdelay $0x1  }
0x8a: {  	s1 =	srdreg.scid  }
0x8b: {  	s0 =	sand.u32 $0x1, s1  }
0x8c: {  	s17 =	sshll.u32 s0, $0xA;
	s2 =	sadd.s32 s3, s2  }
0x8d: {  	s2 =	sadd.s32 s2, s17  }
0x8e: {  	[smem:$0x3FC2] =	sst s2  }
0x8f: {  	_ = 	snop  }
0x90: {  	s2 =	sld [smem:$0x3FD0];
	(tm) =	ssettm $0x1  }
0x91: {  	s18 =	sld [smem:$0x3FFB];
	_ =	sdelay $0x3  }
0x92: {  	_ =	strace s18  }
0x93: {  	s3 =	sld [smem:$0x3FFC];
	_ =	sdelay $0x3  }
0x94: {  	_ =	strace s3  }
0x95: {  	s3 =	sld [smem:$0x3FFD];
	_ =	sdelay $0x3  }
0x96: {  	_ =	strace s3  }
0x97: {  	_ =	strace $0x8FFFFFFF  }
0x98: {  	s19 =	sld [smem:$0x3FDB];
	_ =	sdelay $0x1  }
0x99: {  	s4 =	simm.s32 $_scs_section_size  }
0x9a: {  	s5 =	simm.s32 $_size__tile_overlayer_lowered;
	s6 =	simm.s32 $_tile_overlayer_lowered  }
0x9b: {  	s22 =	simm.s32 $0x1BFF;
	s21 =	sshll.u32 s6, $0x1;
	s3 =	sadd.s32 s4, s19  }
0x9c: {  	s7 =	simm.s32 $0x0;
	s20 =	sshll.u32 s5, $0x1;
	s5 =	sadd.s32 s21, s3  }
0x9d: {  	[timem:s7], [sflag:s22] =	dma.local [hbm:s5], s20  }
0x9e: {  	_ =	swait.ge [sflag:s22], s20  }
0x9f: {  	s4 =	ssub.s32 $0x0, s20;
	[sflag:s22] =	ssyncset.done $0x0  }
0xa0: {  	[sflag:s22] =	ssyncadd.s32 s4;
	_ =	sdelay $0x1  }
0xa1: {  	s23 =	simm.s32 $0x1B8B  }
0xa2: {  	_ =	swait.ge [sflag:s23], $0x1  }
0xa3: {  	[sflag:s23] =	ssyncset.done $0x0  }
0xa4: {  	s25 =	simm.s32 $0x1B8E;
	s24 =	sld [smem:$0x3FFE];
	[sflag:s23] =	ssyncadd.s32 $0xFFFFFFFF  }
0xa5: {  	s26 =	simm.s32 $execute0_lowered;
	[smem:$0x3FD2] =	sst s25  }
0xa6: {  	s5 =	sshll.u32 s26, $0x1;
	_ =	strace $0x80000049;
	[dreg:$0x1] =	wrdreg $0xFFFFFFFF  }
0xa7: {  	s28 =	simm.s32 $_size_execute0_lowered;
	s3 =	sadd.s32 s3, s5;
	[dreg:$0x0] =	wrdreg $0x0  }
0xa8: {  	s5 =	sshll.u32 s28, $0x1;
	[dreg:$0x2] =	wrdreg s3  }
0xa9: {  	[dreg:$0x3] =	wrdreg s5  }
0xaa: {  	[dreg:$0x4] =	wrdreg $0xC0  }
0xab: {  	_ =	task [dreg:s7], $0x5FFFF  }
0xac: {  	[dreg:$0x1] =	wrdreg $0xFFFFFFFF  }
0xad: {  	[dreg:$0x0] =	wrdreg $0x60  }
0xae: {  	[dreg:$0x2] =	wrdreg s2  }
0xaf: {  	[dreg:$0x3] =	wrdreg s24  }
0xb0: {  	[dreg:$0x4] =	wrdreg $0xAD000  }
0xb1: {  	[dreg:$0x5] =	wrdreg $0x9  }
0xb2: {  	_ =	task.clear_ibuf [dreg:s7], $0x6FFFF;
	_ =	strace $0x90000049  }
0xb3: {  	s29 =	simm.s32 $0x9;
	_ =	strace $0x8000004B  }
0xb4: {  	_ =	swait.ge [sflag:s29], $0x1  }
0xb5: {  	[sflag:s29] =	ssyncadd.s32 $0xFFFFFFFF  }
0xb6: {  	_ =	strace $0x9000004B  }
0xb7: {  	_ =	sfence  }
0xb8: {  	s30 =	sld [smem:$0x0];
	_ =	sdelay $0x2  }
0xb9: {  	s31 =	sshll.u32 s1, $0xD;
	s1 =	sshrl.u32 s1, $0x2  }
0xba: {  	s3 =	sand.u32 $0x4000, s31;
	s1 =	sadd.s32 s1, s30  }
0xbb: {  	s0 =	sor.u32 s3, s0;
	s1 =	sshll.u32 s1, $0x11  }
0xbc: {  	s0 =	sor.u32 s1, s0  }
0xbd: {  	s0 =	sadd.s32 $0x8F2B, s0  }
0xbe: {  	[sflag:s0] =	ssyncadd.remote.s32 $0x1  }
0xbf: {  	_ =	sfence.sel $0xFFFF  }
0xc0: {  	[dreg:$0x0] =	wrdreg $0xFFFFFFFF;
	(pc) =	sbr.abs _section_cstart, $3  }
0xc1: {  	[dreg:$0x1] =	wrdreg $0xFFFFFFFF  }
0xc2: {  	_ =	task.clear_ibuf [dreg:s7], $0x2FFFF;
	_ =	strace $0x9FFFFFFF  }
0xc3: {  	(tm) =	ssettm $0x7FFFFFFF  }
tec
execute0_lowered:
.L_overlay_start_1:
0x0: {  	(tag) =	ssettag $0x1  }
0x1: {  	s1 =	rddreg [dreg:$0x0]  }
0x2: {  	s0 =	srdreg.scid;
	s5 =	rddreg [dreg:$0x1]  }
0x3: {  	s8 =	stileid.u32;
	s3 =	rddreg [dreg:$0x2]  }
0x4: {  	s6 =	simm.s32 $0x0;
	s13 =	simm.s32 $0x3;
	s14 =	simm.s32 $0x2D00  }
0x5: {  	s15 =	simm.s32 $0x20;
	s22 =	simm.s32 $0x80;
	s29 =	simm.s32 $0xE0  }
0x6: {  	s30 =	simm.s32 $0x9D00;
	s31 =	simm.s32 $0x2C80;
	s0 =	sand.u32 $0x1, s0  }
0x7: {  	[smem:$0x7FF] =	sst s6;
	s26 =	smul.u32 $0x14000, s8;
	s6 =	sadd.s32 $0x2A00, s5  }
0x8: {  	s2 =	sshll.u32 s0, $0x4;
	s25 =	smul.u32 $0x140000, s0;
	_ =	strace $0x8000004A  }
0x9: {  	s0 =	ssub.s32 $0x2, s0;
	s2 =	sor.u32 s8, s2;
	s8 =	smul.u32 $0x50000, s8  }
0xa: {  	s10 =	sshrl.u32 s0, $0x1;
	s4 =	smul.u32 $0x2C00, s2;
	s2 =	sadd.s32 s26, s25  }
0xb: {  	s0 =	ssub.s32 s0, s10;
	s2 =	sshrl.u32 s2, $0x3;
	s28 =	sshrl.u32 s8, $0x2  }
0xc: {  	s12 =	smax.u32 s0, $0x1;
	s0 =	simm.s32 $0x0;
	s9 =	sshrl.u32 s4, $0x3  }
0xd: {  	s2 =	sadd.s32 s2, s5;
	s8 =	sadd.s32 s28, s3;
	s7 =	sadd.s32 s9, s5  }
0xe: {  	s9 =	sadd.s32 s6, s9;
	s11 =	sadd.s32 $0x68A00, s2;
	s2 =	simm.s32 $0x1  }
0xf: {  	v0 =	vimm.f32 $0.0e+00;
	s5 =	simm.s32 $0x2;
	s7 =	sadd.s32 $0x5DA00, s7;
	s10 =	sadd.s32 $0x10, s9  }
.LBB2_1:
0x10: {  	s16 =	simm.s32 $0x0  }
0x11: {  	[tilespmem:s16], [sflag:$0x3] =	stream.linear.gather [hbm4b:s7+s16], $0x2900, $0x38;
	[tilespmem:$0x1ED00] =	vst v63  }
0x12: {  	_ =	swait.ge [sflag:s13], $0x2900  }
0x13: {  	[sflag:s13] =	ssyncset.done $0x0  }
0x14: {  	s17 =	simm.s32 $0x0;
	s16 =	simm.s32 $0x0;
	[sflag:s13] =	ssyncadd.s32 $0xFFFFD700  }
.LBB2_2:
0x15: {  	p0 =	sne.s32 s17, $0x1FC0  }
.Ltmp0:
0x16: {  	_ = 	snop;
	(pc) =	sbr.rel @p0 .LBB2_2-.Ltmp0, $4  }
0x17: {  	s18 =	sand.u32 $0x1E00, s17  }
0x18: {  	s19 =	sand.u32 $0x70, s16;
	s18 =	sshrl.u32 s18, $0x2  }
0x19: {  	s18 =	sor.u32 s19, s18  }
0x1a: {  	s16 =	sadd.s32 $0x10, s16;
	s17 =	sadd.s32 $0x40, s17;
	[tilespmem:s18+$0x2D00] =	vst v0  }
0x1b: {  	s16 =	sadd.s32 $0x0, s8  }
0x1c: {  	[spmem:s16] =	stream.linear.scatter [tilespmem:s14], [sflag:$0x3], $0x800, $0x38;
	[tilespmem:$0x1ED00] =	vst v63  }
0x1d: {  	s16 =	simm.s32 $0x2000;
	_ =	swait.ge [sflag:s13], $0x800  }
.LBB2_4:
0x1e: {  	s17 =	sshra.s32 s16, $0x2;
	[sflag:s13] =	ssyncset.done $0x0;
	p0 =	sne.s32 s16, $0x4E000  }
.Ltmp1:
0x1f: {  	s17 =	sadd.s32 s17, s8;
	[sflag:s13] =	ssyncadd.s32 $0xFFFFF800;
	(pc) =	sbr.rel @p0 .LBB2_4-.Ltmp1, $3  }
0x20: {  	[spmem:s17] =	stream.linear.scatter [tilespmem:s14], [sflag:$0x3], $0x800, $0x38;
	[tilespmem:$0x1ED00] =	vst v63  }
0x21: {  	s16 =	sadd.s32 $0x2000, s16;
	_ =	sdelay $0x1  }
0x22: {  	_ =	swait.ge [sflag:s13], $0x800  }
0x23: {  	[sflag:s13] =	ssyncset.done $0x0  }
0x24: {  	[sflag:s13] =	ssyncadd.s32 $0xFFFFF800  }
0x25: {  	s16 =	simm.s32 $0x0;
	[bflag:$0x0] =	sbarrier.arrive $0xFFFF  }
0x26: {  	[tilespmem:s14], [sflag:$0x1] =	stream.indirect.gather [hbm4b:s1+s15], $0x80, s16, s15, $0xb8;
	[tilespmem:$0x1ED00] =	vst v63  }
0x27: {  	s17 =	simm.s32 $0x3D00  }
0x28: {  	[tilespmem:s17], [sflag:$0x1] =	stream.indirect.gather [hbm4b:s1+s15], $0x80, s15, s15, $0xb8;
	[tilespmem:$0x1ED00] =	vst v63  }
0x29: {  	s28 =	simm.s32 $0x40;
	s18 =	simm.s32 $0x4D00  }
0x2a: {  	[tilespmem:s18], [sflag:$0x1] =	stream.indirect.gather [hbm4b:s1+s15], $0x80, s28, s15, $0xb8;
	[tilespmem:$0x1ED00] =	vst v63  }
0x2b: {  	s19 =	simm.s32 $0x5D00;
	s18 =	simm.s32 $0x60  }
0x2c: {  	[tilespmem:s19], [sflag:$0x1] =	stream.indirect.gather [hbm4b:s1+s15], $0x80, s18, s15, $0xb8;
	[tilespmem:$0x1ED00] =	vst v63  }
0x2d: {  	s20 =	simm.s32 $0x2C00  }
0x2e: {  	[tilespmem:s20], [sflag:$0x2] =	stream.linear.gather [hbm4b:s9+s16], $0x80, $0x38;
	[tilespmem:$0x1ED00] =	vst v63  }
0x2f: {  	s21 =	simm.s32 $0x6D00  }
0x30: {  	[tilespmem:s21], [sflag:$0x1] =	stream.indirect.gather [hbm4b:s1+s15], $0x80, s22, s15, $0xb8;
	[tilespmem:$0x1ED00] =	vst v63  }
0x31: {  	s23 =	simm.s32 $0xA0;
	s24 =	simm.s32 $0x7D00  }
0x32: {  	[tilespmem:s24], [sflag:$0x1] =	stream.indirect.gather [hbm4b:s1+s15], $0x80, s23, s15, $0xb8;
	[tilespmem:$0x1ED00] =	vst v63  }
0x33: {  	s25 =	simm.s32 $0xC0;
	s26 =	simm.s32 $0x8D00  }
0x34: {  	[tilespmem:s26], [sflag:$0x1] =	stream.indirect.gather [hbm4b:s1+s15], $0x80, s25, s15, $0xb8;
	[tilespmem:$0x1ED00] =	vst v63  }
0x35: {  	_ = 	snop  }
0x36: {  	[tilespmem:s30], [sflag:$0x1] =	stream.indirect.gather [hbm4b:s1+s15], $0x80, s29, s15, $0xb8;
	[tilespmem:$0x1ED00] =	vst v63  }
0x37: {  	_ = 	snop  }
0x38: {  	[tilespmem:s31], [sflag:$0x2] =	stream.linear.gather [hbm4b:s10+s16], $0x80, $0x38;
	[tilespmem:$0x1ED00] =	vst v63  }
0x39: {  	_ =	swait.ge [sflag:s2], $0x1000  }
0x3a: {  	[sflag:s2] =	ssyncset.done $0x0  }
0x3b: {  	[sflag:s2] =	ssyncadd.s32 $0xFFFFF000  }
0x3c: {  	_ =	swait.ge [sflag:s2], $0x1000  }
0x3d: {  	[sflag:s2] =	ssyncset.done $0x0  }
0x3e: {  	[sflag:s2] =	ssyncadd.s32 $0xFFFFF000  }
0x3f: {  	_ =	swait.ge [sflag:s2], $0x1000  }
0x40: {  	[sflag:s2] =	ssyncset.done $0x0  }
0x41: {  	[sflag:s2] =	ssyncadd.s32 $0xFFFFF000  }
0x42: {  	_ =	swait.ge [sflag:s2], $0x1000  }
0x43: {  	[sflag:s2] =	ssyncset.done $0x0  }
0x44: {  	[sflag:s2] =	ssyncadd.s32 $0xFFFFF000  }
0x45: {  	s28 =	sand.u32 $0x1, s16;
	_ =	swait.ge [sflag:s5], $0x80  }
0x46: {  	s17 =	sshll.u32 s28, $0x7;
	s18 =	sshll.u32 s28, $0xE;
	[sflag:s5] =	ssyncset.done $0x0  }
0x47: {  	s19 =	sor.u32 $0x2C00, s17;
	s20 =	sor.u32 $0x2D00, s18;
	[sflag:s5] =	ssyncadd.s32 $0xFFFFFF80  }
0x48: {  	[spmem:s3] =	stream.indirect.scatter.add.f32 [tilespmem:s20], [sflag:$0x3], $0x80, s19, s22, $0xb8;
	[tilespmem:$0x1ED00] =	vst v63  }
0x49: {  	_ =	swait.ge [sflag:s13], $0x4000  }
0x4a: {  	p1 =	por $0x0, $0x0;
	[sflag:s13] =	ssyncset.done $0x0  }
0x4b: {  	s17 =	simm.s32 @!p1 $0x100;
	s21 =	simm.s32 @!p1 $0x20;
	[sflag:s13] =	ssyncadd.s32 $0xFFFFC000  }
0x4c: {  	[tilespmem:s20], [sflag:$0x1] =	stream.indirect.gather @!p1 [hbm4b:s1+s21], $0x80, s17, s21, $0xb8;
	[tilespmem:$0x1ED00] =	vst v63  }
0x4d: {  	s17 =	sadd.s32 @!p1 $0x3D00, s18;
	s20 =	simm.s32 @!p1 $0x120  }
0x4e: {  	[tilespmem:s17], [sflag:$0x1] =	stream.indirect.gather @!p1 [hbm4b:s1+s21], $0x80, s20, s21, $0xb8;
	[tilespmem:$0x1ED00] =	vst v63  }
0x4f: {  	s17 =	sadd.s32 @!p1 $0x4D00, s18;
	s20 =	simm.s32 @!p1 $0x140  }
0x50: {  	[tilespmem:s17], [sflag:$0x1] =	stream.indirect.gather @!p1 [hbm4b:s1+s21], $0x80, s20, s21, $0xb8;
	[tilespmem:$0x1ED00] =	vst v63  }
0x51: {  	s18 =	sadd.s32 @!p1 $0x5D00, s18;
	s17 =	simm.s32 $0x100;
	s20 =	simm.s32 @!p1 $0x160  }
0x52: {  	[tilespmem:s18], [sflag:$0x1] =	stream.indirect.gather @!p1 [hbm4b:s1+s21], $0x80, s20, s21, $0xb8;
	[tilespmem:$0x1ED00] =	vst v63  }
0x53: {  	s18 =	sand.u32 @!p1 $0x7C00, s17  }
0x54: {  	s20 =	sand.u32 @!p1 $0x380, s17;
	s18 =	sadd.s32 @!p1 s4, s18  }
0x55: {  	s17 =	simm.s32 $0x200;
	s18 =	sor.u32 @!p1 s20, s18  }
0x56: {  	s20 =	simm.s32 @!p1 $0x0;
	s21 =	sshrl.u32 @!p1 s18, $0x3;
	s18 =	simm.s32 $0x180  }
.LBB2_6:
0x57: {  	s21 =	sadd.s32 @!p1 s6, s21  }
0x58: {  	s16 =	sadd.s32 $0x1, s16;
	s23 =	smov.u32 s17;
	s17 =	sadd.s32 $0x200, s17  }
0x59: {  	[tilespmem:s19], [sflag:$0x2] =	stream.linear.gather @!p1 [hbm4b:s21+s20], $0x80, $0x38;
	[tilespmem:$0x1ED00] =	vst v63  }
0x5a: {  	p0 =	sne.s32 s17, $0xA400;
	_ =	swait.ge [sflag:s2], $0x1000  }
0x5b: {  	[sflag:s2] =	ssyncset.done $0x0  }
0x5c: {  	[sflag:s2] =	ssyncadd.s32 $0xFFFFF000  }
0x5d: {  	_ =	swait.ge [sflag:s2], $0x1000  }
0x5e: {  	[sflag:s2] =	ssyncset.done $0x0  }
0x5f: {  	[sflag:s2] =	ssyncadd.s32 $0xFFFFF000  }
0x60: {  	_ =	swait.ge [sflag:s2], $0x1000  }
0x61: {  	[sflag:s2] =	ssyncset.done $0x0  }
0x62: {  	[sflag:s2] =	ssyncadd.s32 $0xFFFFF000  }
0x63: {  	_ =	swait.ge [sflag:s2], $0x1000  }
0x64: {  	[sflag:s2] =	ssyncset.done $0x0  }
0x65: {  	[sflag:s2] =	ssyncadd.s32 $0xFFFFF000  }
0x66: {  	s19 =	sand.u32 $0x1, s16;
	_ =	swait.ge [sflag:s5], $0x80  }
0x67: {  	s20 =	sshll.u32 s19, $0xE;
	s19 =	sshll.u32 s19, $0x7;
	[sflag:s5] =	ssyncset.done $0x0  }
0x68: {  	s21 =	sor.u32 $0x2D00, s20;
	s19 =	sor.u32 $0x2C00, s19;
	[sflag:s5] =	ssyncadd.s32 $0xFFFFFF80  }
0x69: {  	[spmem:s3] =	stream.indirect.scatter.add.f32 [tilespmem:s21], [sflag:$0x3], $0x80, s19, s22, $0xb8;
	[tilespmem:$0x1ED00] =	vst v63  }
0x6a: {  	p1 =	sgt.u32 s16, $0x4F;
	_ =	swait.ge [sflag:s13], $0x4000  }
0x6b: {  	s23 =	sshra.s32 @!p1 s23, $0x2;
	s24 =	sadd.s32 @!p1 $0x4D00, s20;
	[sflag:s13] =	ssyncset.done $0x0  }
0x6c: {  	s26 =	simm.s32 @!p1 $0x20;
	s25 =	sadd.s32 @!p1 $0x100, s23;
	[sflag:s13] =	ssyncadd.s32 $0xFFFFC000  }
0x6d: {  	[tilespmem:s21], [sflag:$0x1] =	stream.indirect.gather @!p1 [hbm4b:s1+s26], $0x80, s25, s26, $0xb8;
	[tilespmem:$0x1ED00] =	vst v63  }
0x6e: {  	s28 =	sand.u32 @!p1 $0x7C00, s18;
	s21 =	sadd.s32 @!p1 $0x3D00, s20;
	s25 =	sadd.s32 @!p1 $0x120, s23  }
0x6f: {  	[tilespmem:s21], [sflag:$0x1] =	stream.indirect.gather @!p1 [hbm4b:s1+s26], $0x80, s25, s26, $0xb8;
	[tilespmem:$0x1ED00] =	vst v63  }
0x70: {  	s21 =	sadd.s32 @!p1 $0x140, s23  }
.Ltmp2:
0x71: {  	s25 =	sadd.s32 @!p1 s4, s28;
	s28 =	sand.u32 @!p1 $0x380, s18;
	(pc) =	sbr.rel @p0 .LBB2_6-.Ltmp2, $4  }
0x72: {  	[tilespmem:s24], [sflag:$0x1] =	stream.indirect.gather @!p1 [hbm4b:s1+s26], $0x80, s21, s26, $0xb8;
	[tilespmem:$0x1ED00] =	vst v63  }
0x73: {  	s20 =	sadd.s32 @!p1 $0x5D00, s20;
	s21 =	sadd.s32 @!p1 $0x160, s23;
	s23 =	sor.u32 @!p1 s28, s25  }
0x74: {  	[tilespmem:s20], [sflag:$0x1] =	stream.indirect.gather @!p1 [hbm4b:s1+s26], $0x80, s21, s26, $0xb8;
	[tilespmem:$0x1ED00] =	vst v63  }
0x75: {  	s18 =	sadd.s32 $0x80, s18;
	s21 =	sshrl.u32 @!p1 s23, $0x3;
	s20 =	simm.s32 @!p1 $0x0  }
0x76: {  	s16 =	sadd.s32 @!p1 s6, s21;
	s28 =	stileid.u32;
	s0 =	sadd.s32 $0x1, s0  }
0x77: {  	[tilespmem:s19], [sflag:$0x2] =	stream.linear.gather @!p1 [hbm4b:s16+s20], $0x80, $0x38;
	[tilespmem:$0x1ED00] =	vst v63  }
0x78: {  	s17 =	sshrl.u32 s8, $0x3;
	s16 =	sshll.u32 s28, $0x6;
	p0 =	sne.s32 s0, s12  }
.Ltmp3:
0x79: {  	[bflag:$0x0] =	sbarrier.arrive $0xFFFF;
	s16 =	sor.u32 $0x1C03, s16;
	(pc) =	sbr.rel @p0 .LBB2_1-.Ltmp3, $4  }
0x7a: {  	[hbm:s11], [sflag:s16] =	dma.local [spmem:s17], $0x2800  }
0x7b: {  	_ =	swait.ge [sflag:s13], $0x2800  }
0x7c: {  	[sflag:s13] =	ssyncset.done $0x0  }
0x7d: {  	[sflag:s13] =	ssyncadd.s32 $0xFFFFD800  }
0x7e: {  	_ =	sfence.sel $0x180000  }
0x7f: {  	[bflag:$0x0] =	sbarrier.arrive $0xFFFF  }
0x80: {  	_ =	strace $0x9000004A  }
0x81: {  	s0 =	stileid.u32;
	[bflag:$0x2] =	sbarrier.arrive $0xFFFF  }
0x82: {  	p0 =	sne.s32 s0, $0x0;
	s0 =	rddreg [dreg:$0x3]  }
0x83: {  	s0 =	sadd.s32 @!p0 $0x100000, s0  }
0x84: {  	[sflag:s0] =	ssyncadd.tile.s32 @!p0 $0x1;
	_ =	shalt  }
.Lfunc_end2:
_tile_overlayer_lowered:
.L_overlay_start_2:
0x85: {  	(tag) =	ssettag $0x2  }
0x86: {  	s0 =	rddreg [dreg:$0x0];
	s2 =	stileid.u32  }
0x87: {  	s1 =	rddreg [dreg:$0x1];
	p0 =	sne.s32 s2, $0x0  }
0x88: {  	s3 =	rddreg [dreg:$0x2];
	[bflag:$0x3] =	sbarrier.arrive $0xFFFF;
	s2 =	simm.s32 @!p0 $0x1C03  }
0x89: {  	[timem:s3], [sflag:s2] =	dma.local @!p0 [hbm:s0], s1  }
0x8a: {  	s0 =	simm.s32 @!p0 $0x3  }
0x8b: {  	_ =	swait.ge @!p0 [sflag:s0], s1  }
0x8c: {  	s1 =	ssub.s32 @!p0 $0x0, s1;
	[sflag:s0] =	ssyncset.done @!p0 $0x0  }
0x8d: {  	[sflag:s0] =	ssyncadd.s32 @!p0 s1  }
0x8e: {  	[bflag:$0x3] =	sbarrier.arrive $0xFFFF  }
0x8f: {  	_ =	shalt  }

// kernel: kernel.14.cloned.1.call-start
scs
__scs_entry_jumppad:
0x0: {  	(pc) =	sbr.rel $0x88, $3  }
0x1: {  	(tag) =	ssettag $0x0;
	lr =	simm.s32 $0x1  }
0x2: {  	[smem:$0x3F9B] =	sst lr;
	_ =	strace $0xD0000000  }
0x3: {  	_ = 	snop  }
0x4: {  	_ = 	snop  }
0x5: {  	_ = 	snop  }
0x6: {  	_ = 	snop  }
0x7: {  	_ = 	snop  }
__scs_overlays_trampoline_lowered:
0x8: {  	[smem:$0x3FAA] =	sst s0  }
0x9: {  	[smem:$0x3FAB] =	sst s1  }
0xa: {  	[smem:$0x3FAC] =	sst s2  }
0xb: {  	[smem:$0x3FAD] =	sst s3  }
0xc: {  	[smem:$0x3FAE] =	sst s4  }
0xd: {  	[smem:$0x3FAF] =	sst s5  }
0xe: {  	[smem:$0x3FB0] =	sst s6  }
0xf: {  	[smem:$0x3FB1] =	sst s7  }
0x10: {  	[smem:$0x3FB2] =	sst s8  }
0x11: {  	[smem:$0x3FB3] =	sst s9;
	s0 =	simm.s32 @!p0 $0x0  }
0x12: {  	s1 =	sld [smem:$0x3F99];
	s0 =	simm.s32 @p0 $0x1  }
0x13: {  	[smem:$0x3FB4] =	sst s0;
	s0 =	simm.s32 @!p1 $0x0  }
0x14: {  	s2 =	sld [smem:$0x3F98];
	s0 =	simm.s32 @p1 $0x1  }
0x15: {  	[smem:$0x3FB5] =	sst s0;
	s0 =	simm.s32 @!p2 $0x0  }
0x16: {  	s3 =	sld [smem:$0x3FDB];
	s0 =	simm.s32 @p2 $0x1  }
0x17: {  	s4 =	simm.s32 $0x1BF5;
	[smem:$0x3FB7] =	sst s0  }
0x18: {  	s0 =	sld [smem:$0x3F9A];
	_ =	swait.ge [sflag:s4], $0x0  }
0x19: {  	s7 =	sld [smem:$0x3F9B]  }
0x1a: {  	s8 =	sadd.s32 $0xFFFFE003, lr  }
0x1b: {  	s9 =	sadd.s32 $0xFFFFFEF7, lr;
	s5 =	simm.s32 $0xFFFFFFFF;
	p2 =	slt.u32 s8, $0xFFFFF086  }
0x1c: {  	p1 =	slt.u32 s9, $0xF7A;
	s5 =	simm.s32 @!p2 $0x0  }
0x1d: {  	s5 =	simm.s32 @p1 $0x1;
	p0 =	seq.s32 s7, s2  }
0x1e: {  	s7 =	smul.u32 @!p0 $0xF7A, s2;
	p2 =	seq.s32 @!p0 s5, $0x0  }
0x1f: {  	s9 =	smul.u32 $0xF7A, s1;
	s8 =	simm.s32 @!p0 $0x1BF5;
	p2 =	por !p2, p0  }
0x20: {  	[sflag:s8] =	ssyncset.s32 @!p0 $0xFFFFF086;
	s6 =	sadd.s32 @!p0 s3, s7;
	s7 =	simm.s32 @!p0 $0x108  }
0x21: {  	s3 =	sadd.s32 s3, s9;
	s6 =	sadd.s32 @!p0 $0x88, s6;
	s7 =	simm.s32 @p2 $0x1082  }
0x22: {  	[simem:s7], [sflag:s8] =	dma.local @!p0 [hbm:s6], $0xF7A  }
0x23: {  	s9 =	sor.u32 $0xD0000000, s2;
	s6 =	simm.s32 $0x108;
	_ =	swait.ge @!p0 [sflag:s8], $0x0  }
0x24: {  	s3 =	sadd.s32 $0x88, s3;
	s6 =	simm.s32 @!p1 $0x1082;
	[sflag:s4] =	ssyncset.s32 $0xFFFFF086  }
0x25: {  	[simem:s6], [sflag:s4] =	dma.local [hbm:s3], $0xF7A  }
0x26: {  	[smem:$0x3F9B] =	sst s1;
	(tag) =	ssettag s2;
	_ =	strace s9  }
0x27: {  	s1 =	sld [smem:$0x3FAB]  }
0x28: {  	s2 =	sld [smem:$0x3FAC]  }
0x29: {  	s4 =	sld [smem:$0x3FAE]  }
0x2a: {  	p0 =	seq.s32 s5, $0x0;
	s5 =	sld [smem:$0x3FAF]  }
0x2b: {  	s6 =	sld [smem:$0x3FB0]  }
0x2c: {  	s7 =	sld [smem:$0x3FB1]  }
0x2d: {  	s3 =	simm.s32 $0x108;
	s8 =	sld [smem:$0x3FB2]  }
0x2e: {  	s3 =	simm.s32 @!p0 $0x1082;
	s9 =	sld [smem:$0x3FB3]  }
0x2f: {  	lr =	sadd.s32 s0, s3;
	s0 =	sld [smem:$0x3FAA]  }
0x30: {  	s3 =	sld [smem:$0x3FAD]  }
0x31: {  	[smem:$0x3FB6] =	sst s10  }
0x32: {  	s10 =	sld [smem:$0x3FB4];
	_ =	sdelay $0x3  }
0x33: {  	p0 =	seq.s32 s10, $0x1;
	s10 =	sld [smem:$0x3FB6];
	_ =	sdelay $0x3  }
0x34: {  	[smem:$0x3FB6] =	sst s10  }
0x35: {  	s10 =	sld [smem:$0x3FB5];
	_ =	sdelay $0x3  }
0x36: {  	p1 =	seq.s32 s10, $0x1;
	s10 =	sld [smem:$0x3FB6];
	_ =	sdelay $0x3  }
0x37: {  	[smem:$0x3FB6] =	sst s10  }
0x38: {  	s10 =	sld [smem:$0x3FB7]  }
0x39: {  	_ = 	snop;
	(pc) =	sbr.ind lr, $3  }
0x3a: {  	_ = 	snop  }
0x3b: {  	_ = 	snop  }
0x3c: {  	p2 =	seq.s32 s10, $0x1;
	s10 =	sld [smem:$0x3FB6]  }
0x3d: {  	_ =	shalt  }
0x3e: {  	_ =	shalt  }
0x3f: {  	_ =	shalt  }
0x40: {  	_ =	shalt  }
0x41: {  	_ =	shalt  }
0x42: {  	_ =	shalt  }
0x43: {  	_ =	shalt  }
0x44: {  	_ =	shalt  }
0x45: {  	_ =	shalt  }
0x46: {  	_ =	shalt  }
0x47: {  	_ =	shalt  }
0x48: {  	_ =	shalt  }
0x49: {  	_ =	shalt  }
0x4a: {  	_ =	shalt  }
0x4b: {  	_ =	shalt  }
0x4c: {  	_ =	shalt  }
0x4d: {  	_ =	shalt  }
0x4e: {  	_ =	shalt  }
0x4f: {  	_ =	shalt  }
0x50: {  	_ =	shalt  }
0x51: {  	_ =	shalt  }
0x52: {  	_ =	shalt  }
0x53: {  	_ =	shalt  }
0x54: {  	_ =	shalt  }
0x55: {  	_ =	shalt  }
0x56: {  	_ =	shalt  }
0x57: {  	_ =	shalt  }
0x58: {  	_ =	shalt  }
0x59: {  	_ =	shalt  }
0x5a: {  	_ =	shalt  }
0x5b: {  	_ =	shalt  }
0x5c: {  	_ =	shalt  }
0x5d: {  	_ =	shalt  }
0x5e: {  	_ =	shalt  }
0x5f: {  	_ =	shalt  }
0x60: {  	_ =	shalt  }
0x61: {  	_ =	shalt  }
0x62: {  	_ =	shalt  }
0x63: {  	_ =	shalt  }
0x64: {  	_ =	shalt  }
0x65: {  	_ =	shalt  }
0x66: {  	_ =	shalt  }
0x67: {  	_ =	shalt  }
0x68: {  	_ =	shalt  }
0x69: {  	_ =	shalt  }
0x6a: {  	_ =	shalt  }
0x6b: {  	_ =	shalt  }
0x6c: {  	_ =	shalt  }
0x6d: {  	_ =	shalt  }
0x6e: {  	_ =	shalt  }
0x6f: {  	_ =	shalt  }
0x70: {  	_ =	shalt  }
0x71: {  	_ =	shalt  }
0x72: {  	_ =	shalt  }
0x73: {  	_ =	shalt  }
0x74: {  	_ =	shalt  }
0x75: {  	_ =	shalt  }
0x76: {  	_ =	shalt  }
0x77: {  	_ =	shalt  }
0x78: {  	_ =	shalt  }
0x79: {  	_ =	shalt  }
0x7a: {  	_ =	shalt  }
0x7b: {  	_ =	shalt  }
0x7c: {  	_ =	shalt  }
0x7d: {  	_ =	shalt  }
0x7e: {  	_ =	shalt  }
0x7f: {  	_ =	shalt  }
0x80: {  	_ =	shalt  }
0x81: {  	_ =	shalt  }
0x82: {  	_ =	shalt  }
0x83: {  	_ =	shalt  }
0x84: {  	_ =	shalt  }
0x85: {  	_ =	shalt  }
0x86: {  	_ =	shalt  }
0x87: {  	_ =	shalt  }
.Lfunc_end0:
.L_simem_size_0:
called_computation.2_lowered:
.L_overlay_start_0:
0x88: {  	s2 =	sld [smem:$0x3FD9]  }
0x89: {  	s3 =	sld [smem:$0x3FFE];
	_ =	sdelay $0x1  }
0x8a: {  	s1 =	srdreg.scid  }
0x8b: {  	s0 =	sand.u32 $0x1, s1  }
0x8c: {  	s17 =	sshll.u32 s0, $0xA;
	s2 =	sadd.s32 s3, s2  }
0x8d: {  	s2 =	sadd.s32 s2, s17  }
0x8e: {  	[smem:$0x3FC2] =	sst s2  }
0x8f: {  	_ = 	snop  }
0x90: {  	s2 =	sld [smem:$0x3FD0];
	(tm) =	ssettm $0x1  }
0x91: {  	s18 =	sld [smem:$0x3FFB];
	_ =	sdelay $0x3  }
0x92: {  	_ =	strace s18  }
0x93: {  	s3 =	sld [smem:$0x3FFC];
	_ =	sdelay $0x3  }
0x94: {  	_ =	strace s3  }
0x95: {  	s3 =	sld [smem:$0x3FFD];
	_ =	sdelay $0x3  }
0x96: {  	_ =	strace s3  }
0x97: {  	_ =	strace $0x8FFFFFFF  }
0x98: {  	s19 =	sld [smem:$0x3FDB];
	_ =	sdelay $0x1  }
0x99: {  	s4 =	simm.s32 $_scs_section_size  }
0x9a: {  	s5 =	simm.s32 $_size__tile_overlayer_lowered;
	s6 =	simm.s32 $_tile_overlayer_lowered  }
0x9b: {  	s22 =	simm.s32 $0x1BFF;
	s21 =	sshll.u32 s6, $0x1;
	s3 =	sadd.s32 s4, s19  }
0x9c: {  	s7 =	simm.s32 $0x0;
	s20 =	sshll.u32 s5, $0x1;
	s5 =	sadd.s32 s21, s3  }
0x9d: {  	[timem:s7], [sflag:s22] =	dma.local [hbm:s5], s20  }
0x9e: {  	_ =	swait.ge [sflag:s22], s20  }
0x9f: {  	s4 =	ssub.s32 $0x0, s20;
	[sflag:s22] =	ssyncset.done $0x0  }
0xa0: {  	[sflag:s22] =	ssyncadd.s32 s4;
	_ =	sdelay $0x1  }
0xa1: {  	s23 =	simm.s32 $0x1B8B  }
0xa2: {  	_ =	swait.ge [sflag:s23], $0x1  }
0xa3: {  	[sflag:s23] =	ssyncset.done $0x0  }
0xa4: {  	s25 =	simm.s32 $0x1B8E;
	s24 =	sld [smem:$0x3FFE];
	[sflag:s23] =	ssyncadd.s32 $0xFFFFFFFF  }
0xa5: {  	s26 =	simm.s32 $execute0_lowered;
	[smem:$0x3FD2] =	sst s25  }
0xa6: {  	s5 =	sshll.u32 s26, $0x1;
	_ =	strace $0x8000004C;
	[dreg:$0x1] =	wrdreg $0xFFFFFFFF  }
0xa7: {  	s28 =	simm.s32 $_size_execute0_lowered;
	s3 =	sadd.s32 s3, s5;
	[dreg:$0x0] =	wrdreg $0x0  }
0xa8: {  	s5 =	sshll.u32 s28, $0x1;
	[dreg:$0x2] =	wrdreg s3  }
0xa9: {  	[dreg:$0x3] =	wrdreg s5  }
0xaa: {  	[dreg:$0x4] =	wrdreg $0xC0  }
0xab: {  	_ =	task [dreg:s7], $0x5FFFF  }
0xac: {  	[dreg:$0x1] =	wrdreg $0xFFFFFFFF  }
0xad: {  	[dreg:$0x0] =	wrdreg $0x60  }
0xae: {  	[dreg:$0x2] =	wrdreg s2  }
0xaf: {  	[dreg:$0x3] =	wrdreg s24  }
0xb0: {  	[dreg:$0x4] =	wrdreg $0xAD000  }
0xb1: {  	[dreg:$0x5] =	wrdreg $0x9  }
0xb2: {  	_ =	task.clear_ibuf [dreg:s7], $0x6FFFF;
	_ =	strace $0x9000004C  }
0xb3: {  	s29 =	simm.s32 $0x9;
	_ =	strace $0x8000004E  }
0xb4: {  	_ =	swait.ge [sflag:s29], $0x1  }
0xb5: {  	[sflag:s29] =	ssyncadd.s32 $0xFFFFFFFF  }
0xb6: {  	_ =	strace $0x9000004E  }
0xb7: {  	_ =	sfence  }
0xb8: {  	s30 =	sld [smem:$0x0];
	_ =	sdelay $0x2  }
0xb9: {  	s31 =	sshll.u32 s1, $0xD;
	s1 =	sshrl.u32 s1, $0x2  }
0xba: {  	s3 =	sand.u32 $0x4000, s31;
	s1 =	sadd.s32 s1, s30  }
0xbb: {  	s0 =	sor.u32 s3, s0;
	s1 =	sshll.u32 s1, $0x11  }
0xbc: {  	s0 =	sor.u32 s1, s0  }
0xbd: {  	s0 =	sadd.s32 $0x8F2B, s0  }
0xbe: {  	[sflag:s0] =	ssyncadd.remote.s32 $0x1  }
0xbf: {  	_ =	sfence.sel $0xFFFF  }
0xc0: {  	[dreg:$0x0] =	wrdreg $0xFFFFFFFF;
	(pc) =	sbr.abs _section_cstart, $3  }
0xc1: {  	[dreg:$0x1] =	wrdreg $0xFFFFFFFF  }
0xc2: {  	_ =	task.clear_ibuf [dreg:s7], $0x2FFFF;
	_ =	strace $0x9FFFFFFF  }
0xc3: {  	(tm) =	ssettm $0x7FFFFFFF  }
tec
execute0_lowered:
.L_overlay_start_1:
0x0: {  	(tag) =	ssettag $0x1  }
0x1: {  	s1 =	rddreg [dreg:$0x0]  }
0x2: {  	s0 =	srdreg.scid;
	s5 =	rddreg [dreg:$0x1]  }
0x3: {  	s8 =	stileid.u32;
	s3 =	rddreg [dreg:$0x2]  }
0x4: {  	s6 =	simm.s32 $0x0;
	s13 =	simm.s32 $0x3;
	s14 =	simm.s32 $0x2D00  }
0x5: {  	s15 =	simm.s32 $0x20;
	s22 =	simm.s32 $0x80;
	s29 =	simm.s32 $0xE0  }
0x6: {  	s30 =	simm.s32 $0x9D00;
	s31 =	simm.s32 $0x2C80;
	s0 =	sand.u32 $0x1, s0  }
0x7: {  	[smem:$0x7FF] =	sst s6;
	s26 =	smul.u32 $0x14000, s8;
	s6 =	sadd.s32 $0x2A00, s5  }
0x8: {  	s2 =	sshll.u32 s0, $0x4;
	s25 =	smul.u32 $0x140000, s0;
	_ =	strace $0x8000004D  }
0x9: {  	s0 =	ssub.s32 $0x2, s0;
	s2 =	sor.u32 s8, s2;
	s8 =	smul.u32 $0x50000, s8  }
0xa: {  	s10 =	sshrl.u32 s0, $0x1;
	s4 =	smul.u32 $0x2C00, s2;
	s2 =	sadd.s32 s26, s25  }
0xb: {  	s0 =	ssub.s32 s0, s10;
	s2 =	sshrl.u32 s2, $0x3;
	s28 =	sshrl.u32 s8, $0x2  }
0xc: {  	s12 =	smax.u32 s0, $0x1;
	s0 =	simm.s32 $0x0;
	s9 =	sshrl.u32 s4, $0x3  }
0xd: {  	s2 =	sadd.s32 s2, s5;
	s8 =	sadd.s32 s28, s3;
	s7 =	sadd.s32 s9, s5  }
0xe: {  	s9 =	sadd.s32 s6, s9;
	s11 =	sadd.s32 $0x68A00, s2;
	s2 =	simm.s32 $0x1  }
0xf: {  	v0 =	vimm.f32 $0.0e+00;
	s5 =	simm.s32 $0x2;
	s7 =	sadd.s32 $0x5DA00, s7;
	s10 =	sadd.s32 $0x10, s9  }
.LBB2_1:
0x10: {  	s16 =	simm.s32 $0x0  }
0x11: {  	[tilespmem:s16], [sflag:$0x3] =	stream.linear.gather [hbm4b:s7+s16], $0x2900, $0x38;
	[tilespmem:$0x1ED00] =	vst v63  }
0x12: {  	_ =	swait.ge [sflag:s13], $0x2900  }
0x13: {  	[sflag:s13] =	ssyncset.done $0x0  }
0x14: {  	s17 =	simm.s32 $0x0;
	s16 =	simm.s32 $0x0;
	[sflag:s13] =	ssyncadd.s32 $0xFFFFD700  }
.LBB2_2:
0x15: {  	p0 =	sne.s32 s17, $0x1FC0  }
.Ltmp0:
0x16: {  	_ = 	snop;
	(pc) =	sbr.rel @p0 .LBB2_2-.Ltmp0, $4  }
0x17: {  	s18 =	sand.u32 $0x1E00, s17  }
0x18: {  	s19 =	sand.u32 $0x70, s16;
	s18 =	sshrl.u32 s18, $0x2  }
0x19: {  	s18 =	sor.u32 s19, s18  }
0x1a: {  	s16 =	sadd.s32 $0x10, s16;
	s17 =	sadd.s32 $0x40, s17;
	[tilespmem:s18+$0x2D00] =	vst v0  }
0x1b: {  	s16 =	sadd.s32 $0x0, s8  }
0x1c: {  	[spmem:s16] =	stream.linear.scatter [tilespmem:s14], [sflag:$0x3], $0x800, $0x38;
	[tilespmem:$0x1ED00] =	vst v63  }
0x1d: {  	s16 =	simm.s32 $0x2000;
	_ =	swait.ge [sflag:s13], $0x800  }
.LBB2_4:
0x1e: {  	s17 =	sshra.s32 s16, $0x2;
	[sflag:s13] =	ssyncset.done $0x0;
	p0 =	sne.s32 s16, $0x4E000  }
.Ltmp1:
0x1f: {  	s17 =	sadd.s32 s17, s8;
	[sflag:s13] =	ssyncadd.s32 $0xFFFFF800;
	(pc) =	sbr.rel @p0 .LBB2_4-.Ltmp1, $3  }
0x20: {  	[spmem:s17] =	stream.linear.scatter [tilespmem:s14], [sflag:$0x3], $0x800, $0x38;
	[tilespmem:$0x1ED00] =	vst v63  }
0x21: {  	s16 =	sadd.s32 $0x2000, s16;
	_ =	sdelay $0x1  }
0x22: {  	_ =	swait.ge [sflag:s13], $0x800  }
0x23: {  	[sflag:s13] =	ssyncset.done $0x0  }
0x24: {  	[sflag:s13] =	ssyncadd.s32 $0xFFFFF800  }
0x25: {  	s16 =	simm.s32 $0x0;
	[bflag:$0x0] =	sbarrier.arrive $0xFFFF  }
0x26: {  	[tilespmem:s14], [sflag:$0x1] =	stream.indirect.gather [hbm4b:s1+s15], $0x80, s16, s15, $0xb8;
	[tilespmem:$0x1ED00] =	vst v63  }
0x27: {  	s17 =	simm.s32 $0x3D00  }
0x28: {  	[tilespmem:s17], [sflag:$0x1] =	stream.indirect.gather [hbm4b:s1+s15], $0x80, s15, s15, $0xb8;
	[tilespmem:$0x1ED00] =	vst v63  }
0x29: {  	s28 =	simm.s32 $0x40;
	s18 =	simm.s32 $0x4D00  }
0x2a: {  	[tilespmem:s18], [sflag:$0x1] =	stream.indirect.gather [hbm4b:s1+s15], $0x80, s28, s15, $0xb8;
	[tilespmem:$0x1ED00] =	vst v63  }
0x2b: {  	s19 =	simm.s32 $0x5D00;
	s18 =	simm.s32 $0x60  }
0x2c: {  	[tilespmem:s19], [sflag:$0x1] =	stream.indirect.gather [hbm4b:s1+s15], $0x80, s18, s15, $0xb8;
	[tilespmem:$0x1ED00] =	vst v63  }
0x2d: {  	s20 =	simm.s32 $0x2C00  }
0x2e: {  	[tilespmem:s20], [sflag:$0x2] =	stream.linear.gather [hbm4b:s9+s16], $0x80, $0x38;
	[tilespmem:$0x1ED00] =	vst v63  }
0x2f: {  	s21 =	simm.s32 $0x6D00  }
0x30: {  	[tilespmem:s21], [sflag:$0x1] =	stream.indirect.gather [hbm4b:s1+s15], $0x80, s22, s15, $0xb8;
	[tilespmem:$0x1ED00] =	vst v63  }
0x31: {  	s23 =	simm.s32 $0xA0;
	s24 =	simm.s32 $0x7D00  }
0x32: {  	[tilespmem:s24], [sflag:$0x1] =	stream.indirect.gather [hbm4b:s1+s15], $0x80, s23, s15, $0xb8;
	[tilespmem:$0x1ED00] =	vst v63  }
0x33: {  	s25 =	simm.s32 $0xC0;
	s26 =	simm.s32 $0x8D00  }
0x34: {  	[tilespmem:s26], [sflag:$0x1] =	stream.indirect.gather [hbm4b:s1+s15], $0x80, s25, s15, $0xb8;
	[tilespmem:$0x1ED00] =	vst v63  }
0x35: {  	_ = 	snop  }
0x36: {  	[tilespmem:s30], [sflag:$0x1] =	stream.indirect.gather [hbm4b:s1+s15], $0x80, s29, s15, $0xb8;
	[tilespmem:$0x1ED00] =	vst v63  }
0x37: {  	_ = 	snop  }
0x38: {  	[tilespmem:s31], [sflag:$0x2] =	stream.linear.gather [hbm4b:s10+s16], $0x80, $0x38;
	[tilespmem:$0x1ED00] =	vst v63  }
0x39: {  	_ =	swait.ge [sflag:s2], $0x1000  }
0x3a: {  	[sflag:s2] =	ssyncset.done $0x0  }
0x3b: {  	[sflag:s2] =	ssyncadd.s32 $0xFFFFF000  }
0x3c: {  	_ =	swait.ge [sflag:s2], $0x1000  }
0x3d: {  	[sflag:s2] =	ssyncset.done $0x0  }
0x3e: {  	[sflag:s2] =	ssyncadd.s32 $0xFFFFF000  }
0x3f: {  	_ =	swait.ge [sflag:s2], $0x1000  }
0x40: {  	[sflag:s2] =	ssyncset.done $0x0  }
0x41: {  	[sflag:s2] =	ssyncadd.s32 $0xFFFFF000  }
0x42: {  	_ =	swait.ge [sflag:s2], $0x1000  }
0x43: {  	[sflag:s2] =	ssyncset.done $0x0  }
0x44: {  	[sflag:s2] =	ssyncadd.s32 $0xFFFFF000  }
0x45: {  	s28 =	sand.u32 $0x1, s16;
	_ =	swait.ge [sflag:s5], $0x80  }
0x46: {  	s17 =	sshll.u32 s28, $0x7;
	s18 =	sshll.u32 s28, $0xE;
	[sflag:s5] =	ssyncset.done $0x0  }
0x47: {  	s19 =	sor.u32 $0x2C00, s17;
	s20 =	sor.u32 $0x2D00, s18;
	[sflag:s5] =	ssyncadd.s32 $0xFFFFFF80  }
0x48: {  	[spmem:s3] =	stream.indirect.scatter.add.f32 [tilespmem:s20], [sflag:$0x3], $0x80, s19, s22, $0xb8;
	[tilespmem:$0x1ED00] =	vst v63  }
0x49: {  	_ =	swait.ge [sflag:s13], $0x4000  }
0x4a: {  	p1 =	por $0x0, $0x0;
	[sflag:s13] =	ssyncset.done $0x0  }
0x4b: {  	s17 =	simm.s32 @!p1 $0x100;
	s21 =	simm.s32 @!p1 $0x20;
	[sflag:s13] =	ssyncadd.s32 $0xFFFFC000  }
0x4c: {  	[tilespmem:s20], [sflag:$0x1] =	stream.indirect.gather @!p1 [hbm4b:s1+s21], $0x80, s17, s21, $0xb8;
	[tilespmem:$0x1ED00] =	vst v63  }
0x4d: {  	s17 =	sadd.s32 @!p1 $0x3D00, s18;
	s20 =	simm.s32 @!p1 $0x120  }
0x4e: {  	[tilespmem:s17], [sflag:$0x1] =	stream.indirect.gather @!p1 [hbm4b:s1+s21], $0x80, s20, s21, $0xb8;
	[tilespmem:$0x1ED00] =	vst v63  }
0x4f: {  	s17 =	sadd.s32 @!p1 $0x4D00, s18;
	s20 =	simm.s32 @!p1 $0x140  }
0x50: {  	[tilespmem:s17], [sflag:$0x1] =	stream.indirect.gather @!p1 [hbm4b:s1+s21], $0x80, s20, s21, $0xb8;
	[tilespmem:$0x1ED00] =	vst v63  }
0x51: {  	s18 =	sadd.s32 @!p1 $0x5D00, s18;
	s17 =	simm.s32 $0x100;
	s20 =	simm.s32 @!p1 $0x160  }
0x52: {  	[tilespmem:s18], [sflag:$0x1] =	stream.indirect.gather @!p1 [hbm4b:s1+s21], $0x80, s20, s21, $0xb8;
	[tilespmem:$0x1ED00] =	vst v63  }
0x53: {  	s18 =	sand.u32 @!p1 $0x7C00, s17  }
0x54: {  	s20 =	sand.u32 @!p1 $0x380, s17;
	s18 =	sadd.s32 @!p1 s4, s18  }
0x55: {  	s17 =	simm.s32 $0x200;
	s18 =	sor.u32 @!p1 s20, s18  }
0x56: {  	s20 =	simm.s32 @!p1 $0x0;
	s21 =	sshrl.u32 @!p1 s18, $0x3;
	s18 =	simm.s32 $0x180  }
.LBB2_6:
0x57: {  	s21 =	sadd.s32 @!p1 s6, s21  }
0x58: {  	s16 =	sadd.s32 $0x1, s16;
	s23 =	smov.u32 s17;
	s17 =	sadd.s32 $0x200, s17  }
0x59: {  	[tilespmem:s19], [sflag:$0x2] =	stream.linear.gather @!p1 [hbm4b:s21+s20], $0x80, $0x38;
	[tilespmem:$0x1ED00] =	vst v63  }
0x5a: {  	p0 =	sne.s32 s17, $0xA400;
	_ =	swait.ge [sflag:s2], $0x1000  }
0x5b: {  	[sflag:s2] =	ssyncset.done $0x0  }
0x5c: {  	[sflag:s2] =	ssyncadd.s32 $0xFFFFF000  }
0x5d: {  	_ =	swait.ge [sflag:s2], $0x1000  }
0x5e: {  	[sflag:s2] =	ssyncset.done $0x0  }
0x5f: {  	[sflag:s2] =	ssyncadd.s32 $0xFFFFF000  }
0x60: {  	_ =	swait.ge [sflag:s2], $0x1000  }
0x61: {  	[sflag:s2] =	ssyncset.done $0x0  }
0x62: {  	[sflag:s2] =	ssyncadd.s32 $0xFFFFF000  }
0x63: {  	_ =	swait.ge [sflag:s2], $0x1000  }
0x64: {  	[sflag:s2] =	ssyncset.done $0x0  }
0x65: {  	[sflag:s2] =	ssyncadd.s32 $0xFFFFF000  }
0x66: {  	s19 =	sand.u32 $0x1, s16;
	_ =	swait.ge [sflag:s5], $0x80  }
0x67: {  	s20 =	sshll.u32 s19, $0xE;
	s19 =	sshll.u32 s19, $0x7;
	[sflag:s5] =	ssyncset.done $0x0  }
0x68: {  	s21 =	sor.u32 $0x2D00, s20;
	s19 =	sor.u32 $0x2C00, s19;
	[sflag:s5] =	ssyncadd.s32 $0xFFFFFF80  }
0x69: {  	[spmem:s3] =	stream.indirect.scatter.add.f32 [tilespmem:s21], [sflag:$0x3], $0x80, s19, s22, $0xb8;
	[tilespmem:$0x1ED00] =	vst v63  }
0x6a: {  	p1 =	sgt.u32 s16, $0x4F;
	_ =	swait.ge [sflag:s13], $0x4000  }
0x6b: {  	s23 =	sshra.s32 @!p1 s23, $0x2;
	s24 =	sadd.s32 @!p1 $0x4D00, s20;
	[sflag:s13] =	ssyncset.done $0x0  }
0x6c: {  	s26 =	simm.s32 @!p1 $0x20;
	s25 =	sadd.s32 @!p1 $0x100, s23;
	[sflag:s13] =	ssyncadd.s32 $0xFFFFC000  }
0x6d: {  	[tilespmem:s21], [sflag:$0x1] =	stream.indirect.gather @!p1 [hbm4b:s1+s26], $0x80, s25, s26, $0xb8;
	[tilespmem:$0x1ED00] =	vst v63  }
0x6e: {  	s28 =	sand.u32 @!p1 $0x7C00, s18;
	s21 =	sadd.s32 @!p1 $0x3D00, s20;
	s25 =	sadd.s32 @!p1 $0x120, s23  }
0x6f: {  	[tilespmem:s21], [sflag:$0x1] =	stream.indirect.gather @!p1 [hbm4b:s1+s26], $0x80, s25, s26, $0xb8;
	[tilespmem:$0x1ED00] =	vst v63  }
0x70: {  	s21 =	sadd.s32 @!p1 $0x140, s23  }
.Ltmp2:
0x71: {  	s25 =	sadd.s32 @!p1 s4, s28;
	s28 =	sand.u32 @!p1 $0x380, s18;
	(pc) =	sbr.rel @p0 .LBB2_6-.Ltmp2, $4  }
0x72: {  	[tilespmem:s24], [sflag:$0x1] =	stream.indirect.gather @!p1 [hbm4b:s1+s26], $0x80, s21, s26, $0xb8;
	[tilespmem:$0x1ED00] =	vst v63  }
0x73: {  	s20 =	sadd.s32 @!p1 $0x5D00, s20;
	s21 =	sadd.s32 @!p1 $0x160, s23;
	s23 =	sor.u32 @!p1 s28, s25  }
0x74: {  	[tilespmem:s20], [sflag:$0x1] =	stream.indirect.gather @!p1 [hbm4b:s1+s26], $0x80, s21, s26, $0xb8;
	[tilespmem:$0x1ED00] =	vst v63  }
0x75: {  	s18 =	sadd.s32 $0x80, s18;
	s21 =	sshrl.u32 @!p1 s23, $0x3;
	s20 =	simm.s32 @!p1 $0x0  }
0x76: {  	s16 =	sadd.s32 @!p1 s6, s21;
	s28 =	stileid.u32;
	s0 =	sadd.s32 $0x1, s0  }
0x77: {  	[tilespmem:s19], [sflag:$0x2] =	stream.linear.gather @!p1 [hbm4b:s16+s20], $0x80, $0x38;
	[tilespmem:$0x1ED00] =	vst v63  }
0x78: {  	s17 =	sshrl.u32 s8, $0x3;
	s16 =	sshll.u32 s28, $0x6;
	p0 =	sne.s32 s0, s12  }
.Ltmp3:
0x79: {  	[bflag:$0x0] =	sbarrier.arrive $0xFFFF;
	s16 =	sor.u32 $0x1C03, s16;
	(pc) =	sbr.rel @p0 .LBB2_1-.Ltmp3, $4  }
0x7a: {  	[hbm:s11], [sflag:s16] =	dma.local [spmem:s17], $0x2800  }
0x7b: {  	_ =	swait.ge [sflag:s13], $0x2800  }
0x7c: {  	[sflag:s13] =	ssyncset.done $0x0  }
0x7d: {  	[sflag:s13] =	ssyncadd.s32 $0xFFFFD800  }
0x7e: {  	_ =	sfence.sel $0x180000  }
0x7f: {  	[bflag:$0x0] =	sbarrier.arrive $0xFFFF  }
0x80: {  	_ =	strace $0x9000004D  }
0x81: {  	s0 =	stileid.u32;
	[bflag:$0x2] =	sbarrier.arrive $0xFFFF  }
0x82: {  	p0 =	sne.s32 s0, $0x0;
	s0 =	rddreg [dreg:$0x3]  }
0x83: {  	s0 =	sadd.s32 @!p0 $0x100000, s0  }
0x84: {  	[sflag:s0] =	ssyncadd.tile.s32 @!p0 $0x1;
	_ =	shalt  }
.Lfunc_end2:
_tile_overlayer_lowered:
.L_overlay_start_2:
0x85: {  	(tag) =	ssettag $0x2  }
0x86: {  	s0 =	rddreg [dreg:$0x0];
	s2 =	stileid.u32  }
0x87: {  	s1 =	rddreg [dreg:$0x1];
	p0 =	sne.s32 s2, $0x0  }
0x88: {  	s3 =	rddreg [dreg:$0x2];
	[bflag:$0x3] =	sbarrier.arrive $0xFFFF;
	s2 =	simm.s32 @!p0 $0x1C03  }
0x89: {  	[timem:s3], [sflag:s2] =	dma.local @!p0 [hbm:s0], s1  }
0x8a: {  	s0 =	simm.s32 @!p0 $0x3  }
0x8b: {  	_ =	swait.ge @!p0 [sflag:s0], s1  }
0x8c: {  	s1 =	ssub.s32 @!p0 $0x0, s1;
	[sflag:s0] =	ssyncset.done @!p0 $0x0  }
0x8d: {  	[sflag:s0] =	ssyncadd.s32 @!p0 s1  }
0x8e: {  	[bflag:$0x3] =	sbarrier.arrive $0xFFFF  }
0x8f: {  	_ =	shalt  }

// kernel: kernel.8.cloned.1.call-start
scs
__scs_entry_jumppad:
0x0: {  	(pc) =	sbr.rel $0x88, $3  }
0x1: {  	(tag) =	ssettag $0x0;
	lr =	simm.s32 $0x1  }
0x2: {  	[smem:$0x3F9B] =	sst lr;
	_ =	strace $0xD0000000  }
0x3: {  	_ = 	snop  }
0x4: {  	_ = 	snop  }
0x5: {  	_ = 	snop  }
0x6: {  	_ = 	snop  }
0x7: {  	_ = 	snop  }
__scs_overlays_trampoline_lowered:
0x8: {  	[smem:$0x3FAA] =	sst s0  }
0x9: {  	[smem:$0x3FAB] =	sst s1  }
0xa: {  	[smem:$0x3FAC] =	sst s2  }
0xb: {  	[smem:$0x3FAD] =	sst s3  }
0xc: {  	[smem:$0x3FAE] =	sst s4  }
0xd: {  	[smem:$0x3FAF] =	sst s5  }
0xe: {  	[smem:$0x3FB0] =	sst s6  }
0xf: {  	[smem:$0x3FB1] =	sst s7  }
0x10: {  	[smem:$0x3FB2] =	sst s8  }
0x11: {  	[smem:$0x3FB3] =	sst s9;
	s0 =	simm.s32 @!p0 $0x0  }
0x12: {  	s1 =	sld [smem:$0x3F99];
	s0 =	simm.s32 @p0 $0x1  }
0x13: {  	[smem:$0x3FB4] =	sst s0;
	s0 =	simm.s32 @!p1 $0x0  }
0x14: {  	s2 =	sld [smem:$0x3F98];
	s0 =	simm.s32 @p1 $0x1  }
0x15: {  	[smem:$0x3FB5] =	sst s0;
	s0 =	simm.s32 @!p2 $0x0  }
0x16: {  	s3 =	sld [smem:$0x3FDB];
	s0 =	simm.s32 @p2 $0x1  }
0x17: {  	s4 =	simm.s32 $0x1BF5;
	[smem:$0x3FB7] =	sst s0  }
0x18: {  	s0 =	sld [smem:$0x3F9A];
	_ =	swait.ge [sflag:s4], $0x0  }
0x19: {  	s7 =	sld [smem:$0x3F9B]  }
0x1a: {  	s8 =	sadd.s32 $0xFFFFE003, lr  }
0x1b: {  	s9 =	sadd.s32 $0xFFFFFEF7, lr;
	s5 =	simm.s32 $0xFFFFFFFF;
	p2 =	slt.u32 s8, $0xFFFFF086  }
0x1c: {  	p1 =	slt.u32 s9, $0xF7A;
	s5 =	simm.s32 @!p2 $0x0  }
0x1d: {  	s5 =	simm.s32 @p1 $0x1;
	p0 =	seq.s32 s7, s2  }
0x1e: {  	s7 =	smul.u32 @!p0 $0xF7A, s2;
	p2 =	seq.s32 @!p0 s5, $0x0  }
0x1f: {  	s9 =	smul.u32 $0xF7A, s1;
	s8 =	simm.s32 @!p0 $0x1BF5;
	p2 =	por !p2, p0  }
0x20: {  	[sflag:s8] =	ssyncset.s32 @!p0 $0xFFFFF086;
	s6 =	sadd.s32 @!p0 s3, s7;
	s7 =	simm.s32 @!p0 $0x108  }
0x21: {  	s3 =	sadd.s32 s3, s9;
	s6 =	sadd.s32 @!p0 $0x88, s6;
	s7 =	simm.s32 @p2 $0x1082  }
0x22: {  	[simem:s7], [sflag:s8] =	dma.local @!p0 [hbm:s6], $0xF7A  }
0x23: {  	s9 =	sor.u32 $0xD0000000, s2;
	s6 =	simm.s32 $0x108;
	_ =	swait.ge @!p0 [sflag:s8], $0x0  }
0x24: {  	s3 =	sadd.s32 $0x88, s3;
	s6 =	simm.s32 @!p1 $0x1082;
	[sflag:s4] =	ssyncset.s32 $0xFFFFF086  }
0x25: {  	[simem:s6], [sflag:s4] =	dma.local [hbm:s3], $0xF7A  }
0x26: {  	[smem:$0x3F9B] =	sst s1;
	(tag) =	ssettag s2;
	_ =	strace s9  }
0x27: {  	s1 =	sld [smem:$0x3FAB]  }
0x28: {  	s2 =	sld [smem:$0x3FAC]  }
0x29: {  	s4 =	sld [smem:$0x3FAE]  }
0x2a: {  	p0 =	seq.s32 s5, $0x0;
	s5 =	sld [smem:$0x3FAF]  }
0x2b: {  	s6 =	sld [smem:$0x3FB0]  }
0x2c: {  	s7 =	sld [smem:$0x3FB1]  }
0x2d: {  	s3 =	simm.s32 $0x108;
	s8 =	sld [smem:$0x3FB2]  }
0x2e: {  	s3 =	simm.s32 @!p0 $0x1082;
	s9 =	sld [smem:$0x3FB3]  }
0x2f: {  	lr =	sadd.s32 s0, s3;
	s0 =	sld [smem:$0x3FAA]  }
0x30: {  	s3 =	sld [smem:$0x3FAD]  }
0x31: {  	[smem:$0x3FB6] =	sst s10  }
0x32: {  	s10 =	sld [smem:$0x3FB4];
	_ =	sdelay $0x3  }
0x33: {  	p0 =	seq.s32 s10, $0x1;
	s10 =	sld [smem:$0x3FB6];
	_ =	sdelay $0x3  }
0x34: {  	[smem:$0x3FB6] =	sst s10  }
0x35: {  	s10 =	sld [smem:$0x3FB5];
	_ =	sdelay $0x3  }
0x36: {  	p1 =	seq.s32 s10, $0x1;
	s10 =	sld [smem:$0x3FB6];
	_ =	sdelay $0x3  }
0x37: {  	[smem:$0x3FB6] =	sst s10  }
0x38: {  	s10 =	sld [smem:$0x3FB7]  }
0x39: {  	_ = 	snop;
	(pc) =	sbr.ind lr, $3  }
0x3a: {  	_ = 	snop  }
0x3b: {  	_ = 	snop  }
0x3c: {  	p2 =	seq.s32 s10, $0x1;
	s10 =	sld [smem:$0x3FB6]  }
0x3d: {  	_ =	shalt  }
0x3e: {  	_ =	shalt  }
0x3f: {  	_ =	shalt  }
0x40: {  	_ =	shalt  }
0x41: {  	_ =	shalt  }
0x42: {  	_ =	shalt  }
0x43: {  	_ =	shalt  }
0x44: {  	_ =	shalt  }
0x45: {  	_ =	shalt  }
0x46: {  	_ =	shalt  }
0x47: {  	_ =	shalt  }
0x48: {  	_ =	shalt  }
0x49: {  	_ =	shalt  }
0x4a: {  	_ =	shalt  }
0x4b: {  	_ =	shalt  }
0x4c: {  	_ =	shalt  }
0x4d: {  	_ =	shalt  }
0x4e: {  	_ =	shalt  }
0x4f: {  	_ =	shalt  }
0x50: {  	_ =	shalt  }
0x51: {  	_ =	shalt  }
0x52: {  	_ =	shalt  }
0x53: {  	_ =	shalt  }
0x54: {  	_ =	shalt  }
0x55: {  	_ =	shalt  }
0x56: {  	_ =	shalt  }
0x57: {  	_ =	shalt  }
0x58: {  	_ =	shalt  }
0x59: {  	_ =	shalt  }
0x5a: {  	_ =	shalt  }
0x5b: {  	_ =	shalt  }
0x5c: {  	_ =	shalt  }
0x5d: {  	_ =	shalt  }
0x5e: {  	_ =	shalt  }
0x5f: {  	_ =	shalt  }
0x60: {  	_ =	shalt  }
0x61: {  	_ =	shalt  }
0x62: {  	_ =	shalt  }
0x63: {  	_ =	shalt  }
0x64: {  	_ =	shalt  }
0x65: {  	_ =	shalt  }
0x66: {  	_ =	shalt  }
0x67: {  	_ =	shalt  }
0x68: {  	_ =	shalt  }
0x69: {  	_ =	shalt  }
0x6a: {  	_ =	shalt  }
0x6b: {  	_ =	shalt  }
0x6c: {  	_ =	shalt  }
0x6d: {  	_ =	shalt  }
0x6e: {  	_ =	shalt  }
0x6f: {  	_ =	shalt  }
0x70: {  	_ =	shalt  }
0x71: {  	_ =	shalt  }
0x72: {  	_ =	shalt  }
0x73: {  	_ =	shalt  }
0x74: {  	_ =	shalt  }
0x75: {  	_ =	shalt  }
0x76: {  	_ =	shalt  }
0x77: {  	_ =	shalt  }
0x78: {  	_ =	shalt  }
0x79: {  	_ =	shalt  }
0x7a: {  	_ =	shalt  }
0x7b: {  	_ =	shalt  }
0x7c: {  	_ =	shalt  }
0x7d: {  	_ =	shalt  }
0x7e: {  	_ =	shalt  }
0x7f: {  	_ =	shalt  }
0x80: {  	_ =	shalt  }
0x81: {  	_ =	shalt  }
0x82: {  	_ =	shalt  }
0x83: {  	_ =	shalt  }
0x84: {  	_ =	shalt  }
0x85: {  	_ =	shalt  }
0x86: {  	_ =	shalt  }
0x87: {  	_ =	shalt  }
.Lfunc_end0:
.L_simem_size_0:
called_computation_lowered:
.L_overlay_start_0:
0x88: {  	s2 =	sld [smem:$0x3FD9]  }
0x89: {  	s3 =	sld [smem:$0x3FFE];
	_ =	sdelay $0x1  }
0x8a: {  	s1 =	srdreg.scid  }
0x8b: {  	s0 =	sand.u32 $0x1, s1  }
0x8c: {  	s16 =	sshll.u32 s0, $0xA;
	s2 =	sadd.s32 s3, s2  }
0x8d: {  	s2 =	sadd.s32 s2, s16  }
0x8e: {  	[smem:$0x3FC2] =	sst s2  }
0x8f: {  	_ = 	snop  }
0x90: {  	(tm) =	ssettm $0x1  }
0x91: {  	s17 =	sld [smem:$0x3FFB];
	_ =	sdelay $0x3  }
0x92: {  	_ =	strace s17  }
0x93: {  	s2 =	sld [smem:$0x3FFC];
	_ =	sdelay $0x3  }
0x94: {  	_ =	strace s2  }
0x95: {  	s2 =	sld [smem:$0x3FFD];
	_ =	sdelay $0x3  }
0x96: {  	_ =	strace s2  }
0x97: {  	_ =	strace $0x8FFFFFFF  }
0x98: {  	s18 =	sld [smem:$0x3FDB];
	_ =	sdelay $0x1  }
0x99: {  	s19 =	simm.s32 $_scs_section_size  }
0x9a: {  	s4 =	simm.s32 $_size__tile_overlayer_lowered;
	s5 =	simm.s32 $_tile_overlayer_lowered  }
0x9b: {  	s22 =	simm.s32 $0x1BFF;
	s21 =	sshll.u32 s5, $0x1;
	s2 =	sadd.s32 s19, s18  }
0x9c: {  	s6 =	simm.s32 $0x0;
	s20 =	sshll.u32 s4, $0x1;
	s4 =	sadd.s32 s21, s2  }
0x9d: {  	[timem:s6], [sflag:s22] =	dma.local [hbm:s4], s20  }
0x9e: {  	_ =	swait.ge [sflag:s22], s20  }
0x9f: {  	s3 =	ssub.s32 $0x0, s20;
	[sflag:s22] =	ssyncset.done $0x0  }
0xa0: {  	[sflag:s22] =	ssyncadd.s32 s3;
	_ =	sdelay $0x1  }
0xa1: {  	s23 =	simm.s32 $0x1B8B  }
0xa2: {  	_ =	swait.ge [sflag:s23], $0x1  }
0xa3: {  	[sflag:s23] =	ssyncset.done $0x0  }
0xa4: {  	s25 =	simm.s32 $0x1B8E;
	s24 =	sld [smem:$0x3FFE];
	[sflag:s23] =	ssyncadd.s32 $0xFFFFFFFF  }
0xa5: {  	s26 =	simm.s32 $execute0_lowered;
	[smem:$0x3FD2] =	sst s25  }
0xa6: {  	s4 =	sshll.u32 s26, $0x1;
	_ =	strace $0x80000046;
	[dreg:$0x1] =	wrdreg $0xFFFFFFFF  }
0xa7: {  	s28 =	simm.s32 $_size_execute0_lowered;
	s2 =	sadd.s32 s2, s4;
	[dreg:$0x0] =	wrdreg $0x0  }
0xa8: {  	s4 =	sshll.u32 s28, $0x1;
	[dreg:$0x2] =	wrdreg s2  }
0xa9: {  	[dreg:$0x3] =	wrdreg s4  }
0xaa: {  	[dreg:$0x4] =	wrdreg $0xC0  }
0xab: {  	_ =	task [dreg:s6], $0x5FFFF  }
0xac: {  	[dreg:$0x1] =	wrdreg $0xFFFFFFFF  }
0xad: {  	[dreg:$0x0] =	wrdreg $0x60  }
0xae: {  	[dreg:$0x2] =	wrdreg s24  }
0xaf: {  	[dreg:$0x3] =	wrdreg $0x74000  }
0xb0: {  	[dreg:$0x4] =	wrdreg $0x9  }
0xb1: {  	_ =	task.clear_ibuf [dreg:s6], $0x5FFFF;
	_ =	strace $0x90000046  }
0xb2: {  	s29 =	simm.s32 $0x9;
	_ =	strace $0x80000048  }
0xb3: {  	_ =	swait.ge [sflag:s29], $0x1  }
0xb4: {  	[sflag:s29] =	ssyncadd.s32 $0xFFFFFFFF  }
0xb5: {  	_ =	strace $0x90000048  }
0xb6: {  	_ =	sfence  }
0xb7: {  	s30 =	sld [smem:$0x0];
	_ =	sdelay $0x2  }
0xb8: {  	s31 =	sshll.u32 s1, $0xD;
	s1 =	sshrl.u32 s1, $0x2  }
0xb9: {  	s3 =	sand.u32 $0x4000, s31;
	s1 =	sadd.s32 s1, s30  }
0xba: {  	s0 =	sor.u32 s3, s0;
	s1 =	sshll.u32 s1, $0x11  }
0xbb: {  	s0 =	sor.u32 s1, s0  }
0xbc: {  	s0 =	sadd.s32 $0x8F2B, s0  }
0xbd: {  	[sflag:s0] =	ssyncadd.remote.s32 $0x1  }
0xbe: {  	_ =	sfence.sel $0xFFFF  }
0xbf: {  	[dreg:$0x0] =	wrdreg $0xFFFFFFFF;
	(pc) =	sbr.abs _section_cstart, $3  }
0xc0: {  	[dreg:$0x1] =	wrdreg $0xFFFFFFFF  }
0xc1: {  	_ =	task.clear_ibuf [dreg:s6], $0x2FFFF;
	_ =	strace $0x9FFFFFFF  }
0xc2: {  	(tm) =	ssettm $0x7FFFFFFF  }
0xc3: {  	_ =	shalt  }
tec
execute0_lowered:
.L_overlay_start_1:
0x0: {  	(tag) =	ssettag $0x1  }
0x1: {  	s4 =	rddreg [dreg:$0x0]  }
0x2: {  	s1 =	rddreg [dreg:$0x1]  }
0x3: {  	s2 =	srdreg.scid;
	s0 =	rddreg [dreg:$0x2];
	s3 =	simm.s32 $0x0  }
0x4: {  	s10 =	simm.s32 $0x80;
	s11 =	simm.s32 $0x2C00;
	s5 =	sand.u32 $0x1, s2  }
0x5: {  	s14 =	simm.s32 $0x0;
	s2 =	stileid.u32;
	s7 =	smul.u32 $0x140000, s5  }
0x6: {  	[smem:$0x7FF] =	sst s3;
	s6 =	sshll.u32 s5, $0x4;
	s8 =	smul.u32 $0x14000, s2  }
0x7: {  	_ =	strace $0x80000047;
	s5 =	ssub.s32 $0x2, s5;
	s30 =	smul.u32 $0x50000, s2  }
0x8: {  	s12 =	sshll.u32 s2, $0x6;
	s6 =	sor.u32 s2, s6;
	s9 =	sshrl.u32 s5, $0x1  }
0x9: {  	s12 =	sor.u32 $0x1C01, s12;
	s6 =	smul.u32 $0x580, s6;
	s7 =	sadd.s32 s8, s7  }
0xa: {  	s9 =	ssub.s32 s5, s9;
	s31 =	sshrl.u32 s30, $0x2;
	s8 =	simm.s32 $0x1  }
0xb: {  	s7 =	sshrl.u32 s7, $0x3;
	s5 =	sadd.s32 s31, s1;
	s6 =	sadd.s32 s6, s4  }
0xc: {  	s7 =	sadd.s32 s7, s4;
	s13 =	sshrl.u32 s5, $0x3;
	s4 =	sadd.s32 $0x2A00, s6  }
0xd: {  	v0 =	vimm.f32 $1.000000000e+00;
	v1 =	vimm.f32 $0.0e+00;
	s6 =	sadd.s32 $0xDA00, s7;
	s7 =	smax.u32 s9, $0x1;
	s9 =	simm.s32 $0x6C00  }
.LBB2_1:
0xe: {  	[tilespmem:s3], [sflag:$0x1] =	stream.linear.gather [hbm4b:s4+s3], $0x2900, $0x38;
	[tilespmem:$0x9C00] =	vst v63  }
0xf: {  	_ =	swait.ge [sflag:s8], $0x2900  }
0x10: {  	[sflag:s8] =	ssyncset.done $0x0  }
0x11: {  	s15 =	simm.s32 $0x200;
	s16 =	simm.s32 $0x0;
	[sflag:s8] =	ssyncadd.s32 $0xFFFFD700  }
.LBB2_2:
0x12: {  	p0 =	sne.s32 s15, $0xFE00;
	[tilespmem:s16+$0x2C00] =	vst v0;
	s16 =	smov.u32 s15;
	s15 =	sadd.s32 $0x200, s15  }
.Ltmp0:
0x13: {  	(pc) =	sbr.rel @p0 .LBB2_2-.Ltmp0, $2  }
0x14: {  	_ =	sdelay $0x2  }
0x15: {  	s16 =	sshra.s32 s16, $0x2  }
0x16: {  	[tilespmem:s16+$0x2C00] =	vst v0  }
0x17: {  	[tilespmem:$0x6C00] =	vst v1  }
0x18: {  	[tilespmem:$0x6C80] =	vst v1  }
0x19: {  	[tilespmem:$0x6D00] =	vst v1  }
0x1a: {  	[tilespmem:$0x6D80] =	vst v1  }
0x1b: {  	[tilespmem:$0x6E00] =	vst v1  }
0x1c: {  	[tilespmem:$0x6E80] =	vst v1  }
0x1d: {  	[tilespmem:$0x6F00] =	vst v1  }
0x1e: {  	[tilespmem:$0x6F80] =	vst v1  }
0x1f: {  	[tilespmem:$0x7000] =	vst v1  }
0x20: {  	[tilespmem:$0x7080] =	vst v1  }
0x21: {  	[tilespmem:$0x7100] =	vst v1  }
0x22: {  	[tilespmem:$0x7180] =	vst v1  }
0x23: {  	[tilespmem:$0x7200] =	vst v1  }
0x24: {  	[tilespmem:$0x7280] =	vst v1  }
0x25: {  	[tilespmem:$0x7300] =	vst v1  }
0x26: {  	s15 =	sadd.s32 $0x0, s5;
	[tilespmem:$0x7380] =	vst v1  }
0x27: {  	[spmem:s15] =	stream.linear.scatter [tilespmem:s9], [sflag:$0x1], $0x800, $0x38;
	[tilespmem:$0x9C00] =	vst v63  }
0x28: {  	s15 =	simm.s32 $0x2000;
	_ =	swait.ge [sflag:s8], $0x800  }
.LBB2_4:
0x29: {  	s16 =	sshra.s32 s15, $0x2;
	[sflag:s8] =	ssyncset.done $0x0;
	p0 =	sne.s32 s15, $0x4E000  }
.Ltmp1:
0x2a: {  	s16 =	sadd.s32 s16, s5;
	[sflag:s8] =	ssyncadd.s32 $0xFFFFF800;
	(pc) =	sbr.rel @p0 .LBB2_4-.Ltmp1, $3  }
0x2b: {  	[spmem:s16] =	stream.linear.scatter [tilespmem:s9], [sflag:$0x1], $0x800, $0x38;
	[tilespmem:$0x9C00] =	vst v63  }
0x2c: {  	s15 =	sadd.s32 $0x2000, s15;
	_ =	sdelay $0x1  }
0x2d: {  	_ =	swait.ge [sflag:s8], $0x800  }
0x2e: {  	[sflag:s8] =	ssyncset.done $0x0  }
0x2f: {  	[sflag:s8] =	ssyncadd.s32 $0xFFFFF800  }
0x30: {  	s15 =	simm.s32 $0x0;
	[bflag:$0x0] =	sbarrier.arrive $0xFFFF  }
0x31: {  	[spmem:s1] =	stream.indirect.scatter.add.f32 [tilespmem:s11], [sflag:$0x1], $0x10, s15, s10, $0xb8;
	[tilespmem:$0x9C00] =	vst v63  }
0x32: {  	_ =	swait.ge [sflag:s8], $0x800  }
0x33: {  	s15 =	simm.s32 $0x200;
	[sflag:s8] =	ssyncset.done $0x0  }
.LBB2_6:
0x34: {  	s16 =	sshra.s32 s15, $0x2;
	[sflag:s8] =	ssyncadd.s32 $0xFFFFF800;
	p0 =	sne.s32 s15, $0xA200  }
0x35: {  	[spmem:s1] =	stream.indirect.scatter.add.f32 [tilespmem:s11], [sflag:$0x1], $0x10, s16, s10, $0xb8;
	[tilespmem:$0x9C00] =	vst v63  }
.Ltmp2:
0x36: {  	_ = 	snop;
	(pc) =	sbr.rel @p0 .LBB2_6-.Ltmp2, $4  }
0x37: {  	_ = 	snop  }
0x38: {  	s15 =	sadd.s32 $0x200, s15  }
0x39: {  	_ =	swait.ge [sflag:s8], $0x800  }
0x3a: {  	[sflag:s8] =	ssyncset.done $0x0  }
0x3b: {  	s14 =	sadd.s32 $0x1, s14  }
0x3c: {  	[sflag:s8] =	ssyncadd.s32 $0xFFFFF800;
	p0 =	sne.s32 s14, s7  }
.Ltmp3:
0x3d: {  	[bflag:$0x0] =	sbarrier.arrive $0xFFFF;
	(pc) =	sbr.rel @p0 .LBB2_1-.Ltmp3, $4  }
0x3e: {  	[hbm:s6], [sflag:s12] =	dma.local [spmem:s13], $0x2800  }
0x3f: {  	_ =	swait.ge [sflag:s8], $0x2800  }
0x40: {  	[sflag:s8] =	ssyncset.done $0x0  }
0x41: {  	[sflag:s8] =	ssyncadd.s32 $0xFFFFD800  }
0x42: {  	_ =	sfence.sel $0x180000  }
0x43: {  	[bflag:$0x0] =	sbarrier.arrive $0xFFFF  }
0x44: {  	p0 =	sne.s32 s2, $0x0;
	_ =	strace $0x90000047  }
0x45: {  	s0 =	sadd.s32 @!p0 $0x100000, s0;
	[bflag:$0x2] =	sbarrier.arrive $0xFFFF  }
0x46: {  	[sflag:s0] =	ssyncadd.tile.s32 @!p0 $0x1;
	_ =	shalt  }
.Lfunc_end2:
_tile_overlayer_lowered:
.L_overlay_start_2:
0x47: {  	(tag) =	ssettag $0x2  }
0x48: {  	s0 =	rddreg [dreg:$0x0];
	s2 =	stileid.u32  }
0x49: {  	s1 =	rddreg [dreg:$0x1];
	p0 =	sne.s32 s2, $0x0  }
0x4a: {  	s3 =	rddreg [dreg:$0x2];
	[bflag:$0x3] =	sbarrier.arrive $0xFFFF;
	s2 =	simm.s32 @!p0 $0x1C01  }
0x4b: {  	[timem:s3], [sflag:s2] =	dma.local @!p0 [hbm:s0], s1  }
0x4c: {  	s0 =	simm.s32 @!p0 $0x1  }
0x4d: {  	_ =	swait.ge @!p0 [sflag:s0], s1  }
0x4e: {  	s1 =	ssub.s32 @!p0 $0x0, s1;
	[sflag:s0] =	ssyncset.done @!p0 $0x0  }
0x4f: {  	[sflag:s0] =	ssyncadd.s32 @!p0 s1  }
0x50: {  	[bflag:$0x3] =	sbarrier.arrive $0xFFFF  }
0x51: {  	_ =	shalt  }

</sc_bundles>
